<compile_context>
chip_gen: v7x
topology: tpu7x:2x2x1
jax: 0.10.2.dev20260603
libtpu: 0.0.44.dev20260713+nightly
codegen_flags: <defaults>
</compile_context>

<pallas_src>
import functools

import jax
import jax.numpy as jnp
from jax import lax
from jax.experimental import pallas as pl
from jax.experimental.pallas import tpu as pltpu
from jax.experimental.pallas import tpu_sc as plsc

_RADIUS = 0.2
_NSAMPLE = 32
_LANES = 16
_NWORKERS = 32
_D = 128


def _sc_query_and_group(tbl, xs, ys, zs, qx, qy, qz, fps, *, B, N, P):
    QPW = (B * P) // _NWORKERS
    NG = N // _LANES
    NS1 = _NSAMPLE + 1
    r2 = _RADIUS * _RADIUS

    mesh = plsc.VectorSubcoreMesh(core_axis_name="c", subcore_axis_name="s",
                                  num_cores=2, num_subcores=16)

    @functools.partial(
        pl.kernel,
        out_type=jax.ShapeDtypeStruct((B * P * NS1, _D), jnp.float32),
        mesh=mesh,
        compiler_params=pltpu.CompilerParams(needs_layout_passes=False),
        scratch_types=[
            pltpu.VMEM((N,), jnp.float32),
            pltpu.VMEM((N,), jnp.float32),
            pltpu.VMEM((N,), jnp.float32),
            pltpu.VMEM((QPW + _LANES,), jnp.float32),
            pltpu.VMEM((QPW + _LANES,), jnp.float32),
            pltpu.VMEM((QPW + _LANES,), jnp.float32),
            pltpu.VMEM((QPW + _LANES,), jnp.int32),
            pltpu.VMEM((N // 8 + 64, ), jnp.int32),
            pltpu.VMEM((NS1,), jnp.int32),
            pltpu.VMEM((NS1,), jnp.int32),
            pltpu.VMEM((NS1,), jnp.int32),
            pltpu.VMEM((NS1,), jnp.int32),
            pltpu.VMEM((NS1, _D), jnp.float32),
            pltpu.VMEM((NS1, _D), jnp.float32),
            pltpu.SemaphoreType.DMA,
            pltpu.SemaphoreType.DMA,
            pltpu.SemaphoreType.DMA,
            pltpu.SemaphoreType.DMA,
        ],
    )
    def k(tbl_h, xs_h, ys_h, zs_h, qx_h, qy_h, qz_h, fps_h, out_h,
          xs_v, ys_v, zs_v, qx_v, qy_v, qz_v, fps_v, ibuf,
          ilist_a, ilist_b, olist_a, olist_b, rows_a, rows_b,
          gsem_a, gsem_b, ssem_a, ssem_b):
        w = lax.axis_index("s") * 2 + lax.axis_index("c")
        gq0 = w * QPW
        b = gq0 // P
        base = b * N

        pltpu.sync_copy(xs_h.at[pl.ds(base, N)], xs_v)
        pltpu.sync_copy(ys_h.at[pl.ds(base, N)], ys_v)
        pltpu.sync_copy(zs_h.at[pl.ds(base, N)], zs_v)
        pltpu.sync_copy(qx_h.at[pl.ds(gq0, QPW)], qx_v.at[pl.ds(0, QPW)])
        pltpu.sync_copy(qy_h.at[pl.ds(gq0, QPW)], qy_v.at[pl.ds(0, QPW)])
        pltpu.sync_copy(qz_h.at[pl.ds(gq0, QPW)], qz_v.at[pl.ds(0, QPW)])
        pltpu.sync_copy(fps_h.at[pl.ds(gq0, QPW)], fps_v.at[pl.ds(0, QPW)])

        iota = lax.iota(jnp.int32, _LANES)
        zeros16 = jnp.zeros((_LANES,), jnp.int32)

        def scan_to(q, ilist):
            qxs = qx_v[pl.ds(q, _LANES)][0]
            qys = qy_v[pl.ds(q, _LANES)][0]
            qzs = qz_v[pl.ds(q, _LANES)][0]
            fpsq = fps_v[pl.ds(q, _LANES)][0]
            ibuf[pl.ds(0, _LANES)] = zeros16

            def group(off, cnt_vec):
                dx = xs_v[pl.ds(off, _LANES)] - qxs
                d2 = dx * dx
                dy = ys_v[pl.ds(off, _LANES)] - qys
                d2 = d2 + dy * dy
                dz = zs_v[pl.ds(off, _LANES)] - qzs
                d2 = d2 + dz * dz
                m = d2 < r2
                pref = plsc.cumsum(m.astype(jnp.int32))
                plsc.store_scatter(ibuf, [cnt_vec + pref - 1], iota + off,
                                   mask=m)
                return cnt_vec + plsc.all_reduce_population_count(m)

            GPC = 32
            def super_chunk(sc_i, cnt_vec):
                def run(c):
                    base_off = sc_i * GPC * _LANES

                    @plsc.parallel_loop(0, GPC * _LANES, _LANES, unroll=4,
                                        carry=c)
                    def inner(off, cc):
                        return group(base_off + off, cc)

                    return inner
                return lax.cond(
                    cnt_vec[0] < _NSAMPLE,
                    run,
                    lambda c: c,
                    cnt_vec)

            cnt_vec = lax.fori_loop(0, NG // GPC, super_chunk, zeros16)
            cnt = cnt_vec[0]

            sel_a = ibuf[pl.ds(0, _LANES)]
            sel_b = ibuf[pl.ds(_LANES, _LANES)]
            first = sel_a[0]
            sel_a = jnp.where(iota < cnt, sel_a, first) + base
            sel_b = jnp.where(iota + _LANES < cnt, sel_b, first) + base
            ilist[pl.ds(0, _LANES)] = jnp.where(iota == 0, fpsq + base, 0)
            ilist[pl.ds(1, _LANES)] = sel_a
            ilist[pl.ds(1 + _LANES, _LANES)] = sel_b

        def center_and_olist(q, rows_v, olist):
            qxs = qx_v[pl.ds(q, _LANES)][0]
            qys = qy_v[pl.ds(q, _LANES)][0]
            qzs = qz_v[pl.ds(q, _LANES)][0]
            for chunk in range(3):
                s_idx = iota + chunk * _LANES
                msk = s_idx < NS1
                s_idx = jnp.minimum(s_idx, NS1 - 1)
                for col, qc in ((3, qxs), (4, qys), (5, qzs)):
                    cvec = jnp.full((_LANES,), col, jnp.int32)
                    v = plsc.load_gather(rows_v, [s_idx, cvec], mask=msk)
                    plsc.store_scatter(rows_v, [s_idx, cvec], v - qc,
                                       mask=msk)
            obase = (gq0 + q) * NS1
            olist[pl.ds(0, _LANES)] = iota + obase
            olist[pl.ds(1, _LANES)] = iota + obase + 1
            olist[pl.ds(1 + _LANES, _LANES)] = iota + obase + 1 + _LANES

        scan_to(jnp.int32(0), ilist_a)

        def pair(i2, carry):
            qa = i2 * 2
            qb = qa + 1

            @pl.when(i2 > 0)
            def _():
                pltpu.make_async_copy(rows_a, out_h.at[olist_a],
                                      ssem_a).wait()
            pltpu.async_copy(tbl_h.at[ilist_a], rows_a, gsem_a)
            scan_to(qb, ilist_b)

            @pl.when(i2 > 0)
            def _():
                pltpu.make_async_copy(rows_b, out_h.at[olist_b],
                                      ssem_b).wait()
            pltpu.async_copy(tbl_h.at[ilist_b], rows_b, gsem_b)

            pltpu.make_async_copy(tbl_h.at[ilist_a], rows_a, gsem_a).wait()
            center_and_olist(qa, rows_a, olist_a)
            pltpu.async_copy(rows_a, out_h.at[olist_a], ssem_a)

            scan_to(jnp.minimum(qa + 2, QPW - 1), ilist_a)

            pltpu.make_async_copy(tbl_h.at[ilist_b], rows_b, gsem_b).wait()
            center_and_olist(qb, rows_b, olist_b)
            pltpu.async_copy(rows_b, out_h.at[olist_b], ssem_b)
            return carry

        lax.fori_loop(0, QPW // 2, pair, jnp.int32(0))
        pltpu.make_async_copy(rows_a, out_h.at[olist_a], ssem_a).wait()
        pltpu.make_async_copy(rows_b, out_h.at[olist_b], ssem_b).wait()

    return k(tbl, xs, ys, zs, qx, qy, qz, fps)


def kernel(xyz, new_xyz, features, fps_idx):
    B, N, _ = xyz.shape
    P = new_xyz.shape[1]
    C = features.shape[1]

    ft = jnp.transpose(features, (0, 2, 1))
    pad = jnp.zeros((B, N, _D - 6 - C), jnp.float32)
    tbl = jnp.concatenate([xyz, xyz, ft, pad], axis=-1).reshape(B * N, _D)
    xs = xyz[..., 0].reshape(-1)
    ys = xyz[..., 1].reshape(-1)
    zs = xyz[..., 2].reshape(-1)
    qx = new_xyz[..., 0].reshape(-1)
    qy = new_xyz[..., 1].reshape(-1)
    qz = new_xyz[..., 2].reshape(-1)
    fps = fps_idx.reshape(-1).astype(jnp.int32)

    out = _sc_query_and_group(tbl, xs, ys, zs, qx, qy, qz, fps,
                              B=B, N=N, P=P)
    out = out.reshape(B, P, _NSAMPLE + 1, _D)[..., :6 + C]
    return jnp.transpose(out, (0, 3, 1, 2))

# --- scband reference (transcript-rebuilt; emitter-appended) ---
"""Pipeline reference for scband-query-and-group-40261023433415 (READ-ONLY COPY).

The authoritative reference and input builder live on the scoring server;
editing this copy changes nothing except your own understanding.
"""

import jax, jax.numpy as jnp
import numpy as np

RADIUS = 0.2
NSAMPLE = 32


def ball_query(xyz, new_xyz, radius, nsample):
    # xyz: (B, N, 3), new_xyz: (B, npoint, 3) -> idx (B, npoint, nsample) int32
    N = xyz.shape[1]
    r2 = radius * radius

    def per_batch(args):
        x, nx = args
        d2 = jnp.sum((nx[:, None, :] - x[None, :, :]) ** 2, axis=-1)  # (npoint, N)
        mask = d2 < r2
        cand = jnp.where(mask, jnp.arange(N, dtype=jnp.int32)[None, :], jnp.int32(N))
        sorted_idx = jnp.sort(cand, axis=-1)[:, :nsample]
        first = sorted_idx[:, :1]
        idx = jnp.where(sorted_idx == N, first, sorted_idx)
        idx = jnp.where(idx == N, 0, idx)  # safety for empty balls
        return idx.astype(jnp.int32)

    return jax.lax.map(per_batch, (xyz, new_xyz))


def grouping_operation(features, idx):
    # features: (B, C, N), idx: (B, npoint, nsample) -> (B, C, npoint, nsample)
    return jax.vmap(lambda f, i: jnp.take(f, i, axis=1))(features, idx)


def setup_inputs(seed: int = 0) -> dict:
    key = jax.random.key(seed)
    k1, k2, k3, k4 = jax.random.split(key, 4)
    B, N, npoint, C = 8, 8192, 1024, 64
    xyz = jax.random.uniform(k1, (B, N, 3), dtype=jnp.float32)
    new_xyz = jax.random.uniform(k2, (B, npoint, 3), dtype=jnp.float32)
    features = jax.random.normal(k3, (B, C, N), dtype=jnp.float32)
    fps_idx = jax.random.randint(k4, (B, npoint), 0, N, dtype=jnp.int32)
    return {"xyz": xyz, "new_xyz": new_xyz, "features": features, "fps_idx": fps_idx}


def reference(xyz, new_xyz, features, fps_idx):
    # QueryAndGroup.forward
    idx = ball_query(xyz, new_xyz, RADIUS, NSAMPLE)              # (B, npoint, nsample)
    idx = jnp.concatenate([fps_idx[:, :, None].astype(jnp.int32), idx], axis=2)  # (B, npoint, nsample+1)
    xyz_trans = jnp.transpose(xyz, (0, 2, 1))                    # (B, 3, N)
    grouped_xyz = grouping_operation(xyz_trans, idx)             # (B, 3, npoint, nsample+1)
    raw_grouped_xyz = grouped_xyz
    grouped_xyz = grouped_xyz - jnp.transpose(new_xyz, (0, 2, 1))[..., None]
    grouped_features = grouping_operation(features, idx)         # (B, C, npoint, nsample+1)
    # use_xyz=True, features is not None
    new_features = jnp.concatenate([raw_grouped_xyz, grouped_xyz, grouped_features], axis=1)
    return new_features

if __name__ == "__main__":
    import jax
    _d = setup_inputs()
    print(jax.jit(kernel)(*tuple(_d.values())))

</pallas_src>

<mosaic_0001>
#map = affine_map<(d0, d1) -> (0, 0)>
#map1 = affine_map<(d0, d1) -> (0)>
module attributes {stable_mosaic.version = 14 : i64} {
  func.func @k(%arg0: i32, %arg1: i32, %arg2: memref<65536x128xf32, #tpu.memory_space<hbm>>, %arg3: memref<65536xf32, #tpu.memory_space<hbm>>, %arg4: memref<65536xf32, #tpu.memory_space<hbm>>, %arg5: memref<65536xf32, #tpu.memory_space<hbm>>, %arg6: memref<8192xf32, #tpu.memory_space<hbm>>, %arg7: memref<8192xf32, #tpu.memory_space<hbm>>, %arg8: memref<8192xf32, #tpu.memory_space<hbm>>, %arg9: memref<8192xi32, #tpu.memory_space<hbm>>, %arg10: memref<270336x128xf32, #tpu.memory_space<hbm>>, %arg11: memref<8192xf32, #tpu.memory_space<vmem>>, %arg12: memref<8192xf32, #tpu.memory_space<vmem>>, %arg13: memref<8192xf32, #tpu.memory_space<vmem>>, %arg14: memref<272xf32, #tpu.memory_space<vmem>>, %arg15: memref<272xf32, #tpu.memory_space<vmem>>, %arg16: memref<272xf32, #tpu.memory_space<vmem>>, %arg17: memref<272xi32, #tpu.memory_space<vmem>>, %arg18: memref<1088xi32, #tpu.memory_space<vmem>>, %arg19: memref<33xi32, #tpu.memory_space<vmem>>, %arg20: memref<33xi32, #tpu.memory_space<vmem>>, %arg21: memref<33xi32, #tpu.memory_space<vmem>>, %arg22: memref<33xi32, #tpu.memory_space<vmem>>, %arg23: memref<33x128xf32, #tpu.memory_space<vmem>>, %arg24: memref<33x128xf32, #tpu.memory_space<vmem>>, %arg25: memref<!tpu.dma_semaphore, #tpu.memory_space<semaphore_mem>>, %arg26: memref<!tpu.dma_semaphore, #tpu.memory_space<semaphore_mem>>, %arg27: memref<!tpu.dma_semaphore, #tpu.memory_space<semaphore_mem>>, %arg28: memref<!tpu.dma_semaphore, #tpu.memory_space<semaphore_mem>>) attributes {dimension_semantics = [#tpu.dimension_semantics<core_parallel>, #tpu.dimension_semantics<subcore_parallel>], iteration_bounds = array<i64: 2, 16>, scalar_prefetch = 0 : i64, scratch_operands = 18 : i64, tpu.core_type = #tpu.core_type<sc_vector_subcore>, window_params = [{transform_indices = #map}, {transform_indices = #map1}, {transform_indices = #map1}, {transform_indices = #map1}, {transform_indices = #map1}, {transform_indices = #map1}, {transform_indices = #map1}, {transform_indices = #map1}, {transform_indices = #map}]} {
    %mul3A = arith.constant 2 : i32
    %mul3A_0 = arith.muli %arg1, %mul3A : i32
    %add3A = arith.addi %mul3A_0, %arg0 : i32
    %mul3A_1 = arith.constant 256 : i32
    %mul3A_2 = arith.muli %add3A, %mul3A_1 : i32
    %jit3A = arith.constant 1024 : i32
    %div3A = arith.divsi %mul3A_2, %jit3A : i32
    %sign3A = arith.constant 0 : i32
    %sign3A_3 = arith.cmpi sgt, %mul3A_2, %sign3A : i32
    %sign3A_4 = arith.extui %sign3A_3 : i1 to i32
    %sign3A_5 = arith.constant 0 : i32
    %sign3A_6 = arith.cmpi slt, %mul3A_2, %sign3A_5 : i32
    %sign3A_7 = arith.extui %sign3A_6 : i1 to i32
    %sign3A_8 = arith.subi %sign3A_4, %sign3A_7 : i32
    %sign3A_9 = arith.constant 0 : i32
    %sign3A_10 = arith.cmpi sgt, %jit3A, %sign3A_9 : i32
    %sign3A_11 = arith.extui %sign3A_10 : i1 to i32
    %sign3A_12 = arith.constant 0 : i32
    %sign3A_13 = arith.cmpi slt, %jit3A, %sign3A_12 : i32
    %sign3A_14 = arith.extui %sign3A_13 : i1 to i32
    %sign3A_15 = arith.subi %sign3A_11, %sign3A_14 : i32
    %ne3A = arith.cmpi ne, %sign3A_8, %sign3A_15 : i32
    %rem3A = arith.remsi %mul3A_2, %jit3A : i32
    %ne3A_16 = arith.constant 0 : i32
    %ne3A_17 = arith.cmpi ne, %rem3A, %ne3A_16 : i32
    %and3A = arith.andi %ne3A, %ne3A_17 : i1
    %sub3A = arith.constant 1 : i32
    %sub3A_18 = arith.subi %div3A, %sub3A : i32
    %select_n3A = arith.select %and3A, %sub3A_18, %div3A : i32
    %mul3A_19 = arith.constant 8192 : i32
    %mul3A_20 = arith.muli %select_n3A, %mul3A_19 : i32
    "tpu.region"() ({
      %run_scoped3A = tpu.sem_alloc : memref<!tpu.dma_semaphore, #tpu.memory_space<semaphore_mem>>
      %dma_start3A = tpu.memref_slice %arg3[%mul3A_20] : memref<65536xf32, #tpu.memory_space<hbm>> -> memref<8192xf32, #tpu.memory_space<hbm>>
      %dma_start3A_91 = tpu.memref_slice %arg3[%mul3A_20] : memref<65536xf32, #tpu.memory_space<hbm>> -> memref<8192xf32, #tpu.memory_space<hbm>>
      tpu.enqueue_dma source(%dma_start3A_91 : memref<8192xf32, #tpu.memory_space<hbm>>) target(%arg11 : memref<8192xf32, #tpu.memory_space<vmem>>) target_semaphore(%run_scoped3A : memref<!tpu.dma_semaphore, #tpu.memory_space<semaphore_mem>>)
      %dma_wait3A_92 = tpu.memref_slice %arg3[%mul3A_20] : memref<65536xf32, #tpu.memory_space<hbm>> -> memref<8192xf32, #tpu.memory_space<hbm>>
      %dma_wait3A_93 = tpu.memref_slice %arg3[%mul3A_20] : memref<65536xf32, #tpu.memory_space<hbm>> -> memref<8192xf32, #tpu.memory_space<hbm>>
      tpu.wait_dma2 semaphore(%run_scoped3A : memref<!tpu.dma_semaphore, #tpu.memory_space<semaphore_mem>>) src(%dma_wait3A_93 : memref<8192xf32, #tpu.memory_space<hbm>>) dst(%arg11 : memref<8192xf32, #tpu.memory_space<vmem>>)
      tpu.yield
    }) : () -> ()
    "tpu.region"() ({
      %run_scoped3A = tpu.sem_alloc : memref<!tpu.dma_semaphore, #tpu.memory_space<semaphore_mem>>
      %dma_start3A = tpu.memref_slice %arg4[%mul3A_20] : memref<65536xf32, #tpu.memory_space<hbm>> -> memref<8192xf32, #tpu.memory_space<hbm>>
      %dma_start3A_91 = tpu.memref_slice %arg4[%mul3A_20] : memref<65536xf32, #tpu.memory_space<hbm>> -> memref<8192xf32, #tpu.memory_space<hbm>>
      tpu.enqueue_dma source(%dma_start3A_91 : memref<8192xf32, #tpu.memory_space<hbm>>) target(%arg12 : memref<8192xf32, #tpu.memory_space<vmem>>) target_semaphore(%run_scoped3A : memref<!tpu.dma_semaphore, #tpu.memory_space<semaphore_mem>>)
      %dma_wait3A_92 = tpu.memref_slice %arg4[%mul3A_20] : memref<65536xf32, #tpu.memory_space<hbm>> -> memref<8192xf32, #tpu.memory_space<hbm>>
      %dma_wait3A_93 = tpu.memref_slice %arg4[%mul3A_20] : memref<65536xf32, #tpu.memory_space<hbm>> -> memref<8192xf32, #tpu.memory_space<hbm>>
      tpu.wait_dma2 semaphore(%run_scoped3A : memref<!tpu.dma_semaphore, #tpu.memory_space<semaphore_mem>>) src(%dma_wait3A_93 : memref<8192xf32, #tpu.memory_space<hbm>>) dst(%arg12 : memref<8192xf32, #tpu.memory_space<vmem>>)
      tpu.yield
    }) : () -> ()
    "tpu.region"() ({
      %run_scoped3A = tpu.sem_alloc : memref<!tpu.dma_semaphore, #tpu.memory_space<semaphore_mem>>
      %dma_start3A = tpu.memref_slice %arg5[%mul3A_20] : memref<65536xf32, #tpu.memory_space<hbm>> -> memref<8192xf32, #tpu.memory_space<hbm>>
      %dma_start3A_91 = tpu.memref_slice %arg5[%mul3A_20] : memref<65536xf32, #tpu.memory_space<hbm>> -> memref<8192xf32, #tpu.memory_space<hbm>>
      tpu.enqueue_dma source(%dma_start3A_91 : memref<8192xf32, #tpu.memory_space<hbm>>) target(%arg13 : memref<8192xf32, #tpu.memory_space<vmem>>) target_semaphore(%run_scoped3A : memref<!tpu.dma_semaphore, #tpu.memory_space<semaphore_mem>>)
      %dma_wait3A_92 = tpu.memref_slice %arg5[%mul3A_20] : memref<65536xf32, #tpu.memory_space<hbm>> -> memref<8192xf32, #tpu.memory_space<hbm>>
      %dma_wait3A_93 = tpu.memref_slice %arg5[%mul3A_20] : memref<65536xf32, #tpu.memory_space<hbm>> -> memref<8192xf32, #tpu.memory_space<hbm>>
      tpu.wait_dma2 semaphore(%run_scoped3A : memref<!tpu.dma_semaphore, #tpu.memory_space<semaphore_mem>>) src(%dma_wait3A_93 : memref<8192xf32, #tpu.memory_space<hbm>>) dst(%arg13 : memref<8192xf32, #tpu.memory_space<vmem>>)
      tpu.yield
    }) : () -> ()
    "tpu.region"() ({
      %run_scoped3A = tpu.sem_alloc : memref<!tpu.dma_semaphore, #tpu.memory_space<semaphore_mem>>
      %dma_start3A = arith.constant 0 : i32
      %dma_start3A_91 = tpu.memref_slice %arg14[%dma_start3A] : memref<272xf32, #tpu.memory_space<vmem>> -> memref<256xf32, #tpu.memory_space<vmem>>
      %dma_start3A_92 = tpu.memref_slice %arg6[%mul3A_2] : memref<8192xf32, #tpu.memory_space<hbm>> -> memref<256xf32, #tpu.memory_space<hbm>>
      %dma_start3A_93 = arith.constant 0 : i32
      %dma_start3A_94 = tpu.memref_slice %arg14[%dma_start3A_93] : memref<272xf32, #tpu.memory_space<vmem>> -> memref<256xf32, #tpu.memory_space<vmem>>
      %dma_start3A_95 = tpu.memref_slice %arg6[%mul3A_2] : memref<8192xf32, #tpu.memory_space<hbm>> -> memref<256xf32, #tpu.memory_space<hbm>>
      tpu.enqueue_dma source(%dma_start3A_95 : memref<256xf32, #tpu.memory_space<hbm>>) target(%dma_start3A_94 : memref<256xf32, #tpu.memory_space<vmem>>) target_semaphore(%run_scoped3A : memref<!tpu.dma_semaphore, #tpu.memory_space<semaphore_mem>>)
      %dma_wait3A_96 = arith.constant 0 : i32
      %dma_wait3A_97 = tpu.memref_slice %arg14[%dma_wait3A_96] : memref<272xf32, #tpu.memory_space<vmem>> -> memref<256xf32, #tpu.memory_space<vmem>>
      %dma_wait3A_98 = tpu.memref_slice %arg6[%mul3A_2] : memref<8192xf32, #tpu.memory_space<hbm>> -> memref<256xf32, #tpu.memory_space<hbm>>
      %dma_wait3A_99 = arith.constant 0 : i32
      %dma_wait3A_100 = tpu.memref_slice %arg14[%dma_wait3A_99] : memref<272xf32, #tpu.memory_space<vmem>> -> memref<256xf32, #tpu.memory_space<vmem>>
      %dma_wait3A_101 = tpu.memref_slice %arg6[%mul3A_2] : memref<8192xf32, #tpu.memory_space<hbm>> -> memref<256xf32, #tpu.memory_space<hbm>>
      tpu.wait_dma2 semaphore(%run_scoped3A : memref<!tpu.dma_semaphore, #tpu.memory_space<semaphore_mem>>) src(%dma_wait3A_101 : memref<256xf32, #tpu.memory_space<hbm>>) dst(%dma_wait3A_100 : memref<256xf32, #tpu.memory_space<vmem>>)
      tpu.yield
    }) : () -> ()
    "tpu.region"() ({
      %run_scoped3A = tpu.sem_alloc : memref<!tpu.dma_semaphore, #tpu.memory_space<semaphore_mem>>
      %dma_start3A = arith.constant 0 : i32
      %dma_start3A_91 = tpu.memref_slice %arg15[%dma_start3A] : memref<272xf32, #tpu.memory_space<vmem>> -> memref<256xf32, #tpu.memory_space<vmem>>
      %dma_start3A_92 = tpu.memref_slice %arg7[%mul3A_2] : memref<8192xf32, #tpu.memory_space<hbm>> -> memref<256xf32, #tpu.memory_space<hbm>>
      %dma_start3A_93 = arith.constant 0 : i32
      %dma_start3A_94 = tpu.memref_slice %arg15[%dma_start3A_93] : memref<272xf32, #tpu.memory_space<vmem>> -> memref<256xf32, #tpu.memory_space<vmem>>
      %dma_start3A_95 = tpu.memref_slice %arg7[%mul3A_2] : memref<8192xf32, #tpu.memory_space<hbm>> -> memref<256xf32, #tpu.memory_space<hbm>>
      tpu.enqueue_dma source(%dma_start3A_95 : memref<256xf32, #tpu.memory_space<hbm>>) target(%dma_start3A_94 : memref<256xf32, #tpu.memory_space<vmem>>) target_semaphore(%run_scoped3A : memref<!tpu.dma_semaphore, #tpu.memory_space<semaphore_mem>>)
      %dma_wait3A_96 = arith.constant 0 : i32
      %dma_wait3A_97 = tpu.memref_slice %arg15[%dma_wait3A_96] : memref<272xf32, #tpu.memory_space<vmem>> -> memref<256xf32, #tpu.memory_space<vmem>>
      %dma_wait3A_98 = tpu.memref_slice %arg7[%mul3A_2] : memref<8192xf32, #tpu.memory_space<hbm>> -> memref<256xf32, #tpu.memory_space<hbm>>
      %dma_wait3A_99 = arith.constant 0 : i32
      %dma_wait3A_100 = tpu.memref_slice %arg15[%dma_wait3A_99] : memref<272xf32, #tpu.memory_space<vmem>> -> memref<256xf32, #tpu.memory_space<vmem>>
      %dma_wait3A_101 = tpu.memref_slice %arg7[%mul3A_2] : memref<8192xf32, #tpu.memory_space<hbm>> -> memref<256xf32, #tpu.memory_space<hbm>>
      tpu.wait_dma2 semaphore(%run_scoped3A : memref<!tpu.dma_semaphore, #tpu.memory_space<semaphore_mem>>) src(%dma_wait3A_101 : memref<256xf32, #tpu.memory_space<hbm>>) dst(%dma_wait3A_100 : memref<256xf32, #tpu.memory_space<vmem>>)
      tpu.yield
    }) : () -> ()
    "tpu.region"() ({
      %run_scoped3A = tpu.sem_alloc : memref<!tpu.dma_semaphore, #tpu.memory_space<semaphore_mem>>
      %dma_start3A = arith.constant 0 : i32
      %dma_start3A_91 = tpu.memref_slice %arg16[%dma_start3A] : memref<272xf32, #tpu.memory_space<vmem>> -> memref<256xf32, #tpu.memory_space<vmem>>
      %dma_start3A_92 = tpu.memref_slice %arg8[%mul3A_2] : memref<8192xf32, #tpu.memory_space<hbm>> -> memref<256xf32, #tpu.memory_space<hbm>>
      %dma_start3A_93 = arith.constant 0 : i32
      %dma_start3A_94 = tpu.memref_slice %arg16[%dma_start3A_93] : memref<272xf32, #tpu.memory_space<vmem>> -> memref<256xf32, #tpu.memory_space<vmem>>
      %dma_start3A_95 = tpu.memref_slice %arg8[%mul3A_2] : memref<8192xf32, #tpu.memory_space<hbm>> -> memref<256xf32, #tpu.memory_space<hbm>>
      tpu.enqueue_dma source(%dma_start3A_95 : memref<256xf32, #tpu.memory_space<hbm>>) target(%dma_start3A_94 : memref<256xf32, #tpu.memory_space<vmem>>) target_semaphore(%run_scoped3A : memref<!tpu.dma_semaphore, #tpu.memory_space<semaphore_mem>>)
      %dma_wait3A_96 = arith.constant 0 : i32
      %dma_wait3A_97 = tpu.memref_slice %arg16[%dma_wait3A_96] : memref<272xf32, #tpu.memory_space<vmem>> -> memref<256xf32, #tpu.memory_space<vmem>>
      %dma_wait3A_98 = tpu.memref_slice %arg8[%mul3A_2] : memref<8192xf32, #tpu.memory_space<hbm>> -> memref<256xf32, #tpu.memory_space<hbm>>
      %dma_wait3A_99 = arith.constant 0 : i32
      %dma_wait3A_100 = tpu.memref_slice %arg16[%dma_wait3A_99] : memref<272xf32, #tpu.memory_space<vmem>> -> memref<256xf32, #tpu.memory_space<vmem>>
      %dma_wait3A_101 = tpu.memref_slice %arg8[%mul3A_2] : memref<8192xf32, #tpu.memory_space<hbm>> -> memref<256xf32, #tpu.memory_space<hbm>>
      tpu.wait_dma2 semaphore(%run_scoped3A : memref<!tpu.dma_semaphore, #tpu.memory_space<semaphore_mem>>) src(%dma_wait3A_101 : memref<256xf32, #tpu.memory_space<hbm>>) dst(%dma_wait3A_100 : memref<256xf32, #tpu.memory_space<vmem>>)
      tpu.yield
    }) : () -> ()
    "tpu.region"() ({
      %run_scoped3A = tpu.sem_alloc : memref<!tpu.dma_semaphore, #tpu.memory_space<semaphore_mem>>
      %dma_start3A = arith.constant 0 : i32
      %dma_start3A_91 = tpu.memref_slice %arg17[%dma_start3A] : memref<272xi32, #tpu.memory_space<vmem>> -> memref<256xi32, #tpu.memory_space<vmem>>
      %dma_start3A_92 = tpu.memref_slice %arg9[%mul3A_2] : memref<8192xi32, #tpu.memory_space<hbm>> -> memref<256xi32, #tpu.memory_space<hbm>>
      %dma_start3A_93 = arith.constant 0 : i32
      %dma_start3A_94 = tpu.memref_slice %arg17[%dma_start3A_93] : memref<272xi32, #tpu.memory_space<vmem>> -> memref<256xi32, #tpu.memory_space<vmem>>
      %dma_start3A_95 = tpu.memref_slice %arg9[%mul3A_2] : memref<8192xi32, #tpu.memory_space<hbm>> -> memref<256xi32, #tpu.memory_space<hbm>>
      tpu.enqueue_dma source(%dma_start3A_95 : memref<256xi32, #tpu.memory_space<hbm>>) target(%dma_start3A_94 : memref<256xi32, #tpu.memory_space<vmem>>) target_semaphore(%run_scoped3A : memref<!tpu.dma_semaphore, #tpu.memory_space<semaphore_mem>>)
      %dma_wait3A_96 = arith.constant 0 : i32
      %dma_wait3A_97 = tpu.memref_slice %arg17[%dma_wait3A_96] : memref<272xi32, #tpu.memory_space<vmem>> -> memref<256xi32, #tpu.memory_space<vmem>>
      %dma_wait3A_98 = tpu.memref_slice %arg9[%mul3A_2] : memref<8192xi32, #tpu.memory_space<hbm>> -> memref<256xi32, #tpu.memory_space<hbm>>
      %dma_wait3A_99 = arith.constant 0 : i32
      %dma_wait3A_100 = tpu.memref_slice %arg17[%dma_wait3A_99] : memref<272xi32, #tpu.memory_space<vmem>> -> memref<256xi32, #tpu.memory_space<vmem>>
      %dma_wait3A_101 = tpu.memref_slice %arg9[%mul3A_2] : memref<8192xi32, #tpu.memory_space<hbm>> -> memref<256xi32, #tpu.memory_space<hbm>>
      tpu.wait_dma2 semaphore(%run_scoped3A : memref<!tpu.dma_semaphore, #tpu.memory_space<semaphore_mem>>) src(%dma_wait3A_101 : memref<256xi32, #tpu.memory_space<hbm>>) dst(%dma_wait3A_100 : memref<256xi32, #tpu.memory_space<vmem>>)
      tpu.yield
    }) : () -> ()
    %iota3A = tpu.iota {dimensions = array<i32: 0>} : vector<16xi32>
    %broadcast_in_dim3A = arith.constant 0 : i32
    %broadcast_in_dim3A_21 = vector.broadcast %broadcast_in_dim3A : i32 to vector<16xi32>
    %get3A = arith.constant 0 : i32
    %get3A_22 = arith.index_cast %get3A : i32 to index
    %get3A_23 = tpu.vector_load %arg14[%get3A_22] {strides = array<i32>} : memref<272xf32, #tpu.memory_space<vmem>>, vector<16xf32>,
    %slice3A = vector.extract_strided_slice %get3A_23 {offsets = [0], sizes = [1], strides = [1]} : vector<16xf32> to vector<1xf32>
    %squeeze3A = vector.extract %slice3A[0] : f32 from vector<1xf32>
    %get3A_24 = arith.constant 0 : i32
    %get3A_25 = arith.index_cast %get3A_24 : i32 to index
    %get3A_26 = tpu.vector_load %arg15[%get3A_25] {strides = array<i32>} : memref<272xf32, #tpu.memory_space<vmem>>, vector<16xf32>,
    %slice3A_27 = vector.extract_strided_slice %get3A_26 {offsets = [0], sizes = [1], strides = [1]} : vector<16xf32> to vector<1xf32>
    %squeeze3A_28 = vector.extract %slice3A_27[0] : f32 from vector<1xf32>
    %get3A_29 = arith.constant 0 : i32
    %get3A_30 = arith.index_cast %get3A_29 : i32 to index
    %get3A_31 = tpu.vector_load %arg16[%get3A_30] {strides = array<i32>} : memref<272xf32, #tpu.memory_space<vmem>>, vector<16xf32>,
    %slice3A_32 = vector.extract_strided_slice %get3A_31 {offsets = [0], sizes = [1], strides = [1]} : vector<16xf32> to vector<1xf32>
    %squeeze3A_33 = vector.extract %slice3A_32[0] : f32 from vector<1xf32>
    %get3A_34 = arith.constant 0 : i32
    %get3A_35 = arith.index_cast %get3A_34 : i32 to index
    %get3A_36 = tpu.vector_load %arg17[%get3A_35] {strides = array<i32>} : memref<272xi32, #tpu.memory_space<vmem>>, vector<16xi32>,
    %slice3A_37 = vector.extract_strided_slice %get3A_36 {offsets = [0], sizes = [1], strides = [1]} : vector<16xi32> to vector<1xi32>
    %squeeze3A_38 = vector.extract %slice3A_37[0] : i32 from vector<1xi32>
    %swap3A = arith.constant 0 : index
    %swap3A_39 = tpu.vector_load %arg18[%swap3A] {strides = array<i32>} : memref<1088xi32, #tpu.memory_space<vmem>>, vector<16xi32>,
    tpu.vector_store %arg18[%swap3A], %broadcast_in_dim3A_21 {strides = array<i32>} : memref<1088xi32, #tpu.memory_space<vmem>>, vector<16xi32>,
    %scan3A = arith.constant 0 : i32
    %scan3A_40 = arith.constant 16 : i32
    %scan3A_41 = arith.addi %scan3A, %scan3A_40 : i32
    %scan3A_42 = arith.constant 1 : i32
    %scan3A_43 = scf.for %scan3A_91 = %scan3A to %scan3A_41 step %scan3A_42 iter_args(%scan3A_92 = %broadcast_in_dim3A_21) -> (vector<16xi32>)  : i32 {
      %slice3A_93 = vector.extract_strided_slice %scan3A_92 {offsets = [0], sizes = [1], strides = [1]} : vector<16xi32> to vector<1xi32>
      %squeeze3A_94 = vector.extract %slice3A_93[0] : i32 from vector<1xi32>
      %lt3A_95 = arith.constant 32 : i32
      %lt3A_96 = arith.cmpi slt, %squeeze3A_94, %lt3A_95 : i32
      %convert_element_type3A = arith.extui %lt3A_96 : i1 to i32
      %cond3A = arith.constant 0 : i32
      %cond3A_97 = arith.cmpi ne, %convert_element_type3A, %cond3A : i32
      %cond3A_98 = scf.if %cond3A_97 -> (vector<16xi32>) {
        %mul3A_99 = arith.constant 32 : i32
        %mul3A_100 = arith.muli %scan3A_91, %mul3A_99 : i32
        %mul3A_101 = arith.constant 16 : i32
        %mul3A_102 = arith.muli %mul3A_100, %mul3A_101 : i32
        %parallel_loop3A = arith.constant 0 : i32
        %parallel_loop3A_103 = arith.constant 512 : i32
        %parallel_loop3A_104 = arith.constant 16 : i32
        %parallel_loop3A_105 = scf.for %parallel_loop3A_106 = %parallel_loop3A to %parallel_loop3A_103 step %parallel_loop3A_104 iter_args(%parallel_loop3A_107 = %scan3A_92) -> (vector<16xi32>)  : i32 {
          %parallel_loop3A_108 = arith.addi %mul3A_102, %parallel_loop3A_106 : i32
          %parallel_loop3A_109 = arith.index_cast %parallel_loop3A_108 : i32 to index
          %parallel_loop3A_110 = tpu.vector_load %arg11[%parallel_loop3A_109] {strides = array<i32>} : memref<8192xf32, #tpu.memory_space<vmem>>, vector<16xf32>,
          %parallel_loop3A_111 = vector.broadcast %squeeze3A : f32 to vector<16xf32>
          %parallel_loop3A_112 = arith.subf %parallel_loop3A_110, %parallel_loop3A_111 : vector<16xf32>
          %parallel_loop3A_113 = arith.mulf %parallel_loop3A_112, %parallel_loop3A_112 : vector<16xf32>
          %parallel_loop3A_114 = arith.index_cast %parallel_loop3A_108 : i32 to index
          %parallel_loop3A_115 = tpu.vector_load %arg12[%parallel_loop3A_114] {strides = array<i32>} : memref<8192xf32, #tpu.memory_space<vmem>>, vector<16xf32>,
          %parallel_loop3A_116 = vector.broadcast %squeeze3A_28 : f32 to vector<16xf32>
          %parallel_loop3A_117 = arith.subf %parallel_loop3A_115, %parallel_loop3A_116 : vector<16xf32>
          %parallel_loop3A_118 = arith.mulf %parallel_loop3A_117, %parallel_loop3A_117 : vector<16xf32>
          %parallel_loop3A_119 = arith.addf %parallel_loop3A_113, %parallel_loop3A_118 : vector<16xf32>
          %parallel_loop3A_120 = arith.index_cast %parallel_loop3A_108 : i32 to index
          %parallel_loop3A_121 = tpu.vector_load %arg13[%parallel_loop3A_120] {strides = array<i32>} : memref<8192xf32, #tpu.memory_space<vmem>>, vector<16xf32>,
          %parallel_loop3A_122 = vector.broadcast %squeeze3A_33 : f32 to vector<16xf32>
          %parallel_loop3A_123 = arith.subf %parallel_loop3A_121, %parallel_loop3A_122 : vector<16xf32>
          %parallel_loop3A_124 = arith.mulf %parallel_loop3A_123, %parallel_loop3A_123 : vector<16xf32>
          %parallel_loop3A_125 = arith.addf %parallel_loop3A_119, %parallel_loop3A_124 : vector<16xf32>
          %parallel_loop3A_126 = arith.constant 4.000000e-02 : f32
          %parallel_loop3A_127 = vector.broadcast %parallel_loop3A_126 : f32 to vector<16xf32>
          %parallel_loop3A_128 = arith.cmpf olt, %parallel_loop3A_125, %parallel_loop3A_127 : vector<16xf32>
          %parallel_loop3A_129 = arith.extui %parallel_loop3A_128 : vector<16xi1> to vector<16xi32>
          %parallel_loop3A_130 = arith.constant true
          %parallel_loop3A_131 = vector.broadcast %parallel_loop3A_130 : i1 to vector<16xi1>
          %parallel_loop3A_132 = tpu.scan <sum>, %parallel_loop3A_129 masked %parallel_loop3A_131 : vector<16xi32>, vector<16xi1> -> vector<16xi32>
          %parallel_loop3A_133 = arith.addi %parallel_loop3A_107, %parallel_loop3A_132 : vector<16xi32>
          %parallel_loop3A_134 = arith.constant 1 : i32
          %parallel_loop3A_135 = vector.broadcast %parallel_loop3A_134 : i32 to vector<16xi32>
          %parallel_loop3A_136 = arith.subi %parallel_loop3A_133, %parallel_loop3A_135 : vector<16xi32>
          %parallel_loop3A_137 = vector.broadcast %parallel_loop3A_108 : i32 to vector<16xi32>
          %parallel_loop3A_138 = arith.addi %iota3A, %parallel_loop3A_137 : vector<16xi32>
          tpu.vector_store_idx %arg18[%parallel_loop3A_136], %parallel_loop3A_138 masked %parallel_loop3A_128 : memref<1088xi32, #tpu.memory_space<vmem>>[vector<16xi32>], vector<16xi32>, vector<16xi1>
          %parallel_loop3A_139 = tpu.all_reduce %parallel_loop3A_128 {dim = 0 : i64, kind = #tpu.reduction_kind<sum>} : vector<16xi1> -> vector<16xi32>
          %parallel_loop3A_140 = arith.addi %parallel_loop3A_107, %parallel_loop3A_139 : vector<16xi32>
          scf.yield %parallel_loop3A_140 : vector<16xi32>
        } {sc.loop_unroll_factor = 4 : i64, sc.parallel_access}
        scf.yield %parallel_loop3A_105 : vector<16xi32>
      } else {
        scf.yield %scan3A_92 : vector<16xi32>
      }
      scf.yield %cond3A_98 : vector<16xi32>
    }
    %scan3A_44 = arith.constant 16 : i32
    %slice3A_45 = vector.extract_strided_slice %scan3A_43 {offsets = [0], sizes = [1], strides = [1]} : vector<16xi32> to vector<1xi32>
    %squeeze3A_46 = vector.extract %slice3A_45[0] : i32 from vector<1xi32>
    %get3A_47 = arith.constant 0 : index
    %get3A_48 = tpu.vector_load %arg18[%get3A_47] {strides = array<i32>} : memref<1088xi32, #tpu.memory_space<vmem>>, vector<16xi32>,
    %get3A_49 = arith.constant 16 : index
    %get3A_50 = tpu.vector_load %arg18[%get3A_49] {strides = array<i32>} : memref<1088xi32, #tpu.memory_space<vmem>>, vector<16xi32>,
    %slice3A_51 = vector.extract_strided_slice %get3A_48 {offsets = [0], sizes = [1], strides = [1]} : vector<16xi32> to vector<1xi32>
    %squeeze3A_52 = vector.extract %slice3A_51[0] : i32 from vector<1xi32>
    %lt3A = vector.broadcast %squeeze3A_46 : i32 to vector<16xi32>
    %lt3A_53 = arith.cmpi slt, %iota3A, %lt3A : vector<16xi32>
    %broadcast_in_dim3A_54 = vector.broadcast %squeeze3A_52 : i32 to vector<16xi32>
    %select_n3A_55 = arith.select %lt3A_53, %get3A_48, %broadcast_in_dim3A_54 : vector<16xi1>, vector<16xi32>
    %add3A_56 = vector.broadcast %mul3A_20 : i32 to vector<16xi32>
    %add3A_57 = arith.addi %select_n3A_55, %add3A_56 : vector<16xi32>
    %add3A_58 = arith.constant 16 : i32
    %add3A_59 = vector.broadcast %add3A_58 : i32 to vector<16xi32>
    %add3A_60 = arith.addi %iota3A, %add3A_59 : vector<16xi32>
    %lt3A_61 = vector.broadcast %squeeze3A_46 : i32 to vector<16xi32>
    %lt3A_62 = arith.cmpi slt, %add3A_60, %lt3A_61 : vector<16xi32>
    %broadcast_in_dim3A_63 = vector.broadcast %squeeze3A_52 : i32 to vector<16xi32>
    %select_n3A_64 = arith.select %lt3A_62, %get3A_50, %broadcast_in_dim3A_63 : vector<16xi1>, vector<16xi32>
    %add3A_65 = vector.broadcast %mul3A_20 : i32 to vector<16xi32>
    %add3A_66 = arith.addi %select_n3A_64, %add3A_65 : vector<16xi32>
    %eq3A = arith.constant 0 : i32
    %eq3A_67 = vector.broadcast %eq3A : i32 to vector<16xi32>
    %eq3A_68 = arith.cmpi eq, %iota3A, %eq3A_67 : vector<16xi32>
    %add3A_69 = arith.addi %squeeze3A_38, %mul3A_20 : i32
    %jit3A_70 = arith.constant 0 : i32
    %broadcast_in_dim3A_71 = vector.broadcast %add3A_69 : i32 to vector<16xi32>
    %broadcast_in_dim3A_72 = vector.broadcast %jit3A_70 : i32 to vector<16xi32>
    %select_n3A_73 = arith.select %eq3A_68, %broadcast_in_dim3A_71, %broadcast_in_dim3A_72 : vector<16xi1>, vector<16xi32>
    %swap3A_74 = arith.constant 0 : index
    %swap3A_75 = tpu.vector_load %arg19[%swap3A_74] {strides = array<i32>} : memref<33xi32, #tpu.memory_space<vmem>>, vector<16xi32>,
    tpu.vector_store %arg19[%swap3A_74], %select_n3A_73 {strides = array<i32>} : memref<33xi32, #tpu.memory_space<vmem>>, vector<16xi32>,
    %swap3A_76 = arith.constant 1 : index
    %swap3A_77 = tpu.vector_load %arg19[%swap3A_76] {strides = array<i32>} : memref<33xi32, #tpu.memory_space<vmem>>, vector<16xi32>,
    tpu.vector_store %arg19[%swap3A_76], %add3A_57 {strides = array<i32>} : memref<33xi32, #tpu.memory_space<vmem>>, vector<16xi32>,
    %swap3A_78 = arith.constant 17 : index
    %swap3A_79 = tpu.vector_load %arg19[%swap3A_78] {strides = array<i32>} : memref<33xi32, #tpu.memory_space<vmem>>, vector<16xi32>,
    tpu.vector_store %arg19[%swap3A_78], %add3A_66 {strides = array<i32>} : memref<33xi32, #tpu.memory_space<vmem>>, vector<16xi32>,
    %scan3A_80 = arith.constant 0 : i32
    %scan3A_81 = arith.constant 0 : i32
    %scan3A_82 = arith.constant 128 : i32
    %scan3A_83 = arith.addi %scan3A_81, %scan3A_82 : i32
    %scan3A_84 = arith.constant 1 : i32
    scf.for %scan3A_91 = %scan3A_81 to %scan3A_83 step %scan3A_84  : i32 {
      %mul3A_92 = arith.constant 2 : i32
      %mul3A_93 = arith.muli %scan3A_91, %mul3A_92 : i32
      %add3A_94 = arith.constant 1 : i32
      %add3A_95 = arith.addi %mul3A_93, %add3A_94 : i32
      %gt3A = arith.constant 0 : i32
      %gt3A_96 = arith.cmpi sgt, %scan3A_91, %gt3A : i32
      %convert_element_type3A = arith.extui %gt3A_96 : i1 to i32
      %cond3A = arith.constant 0 : i32
      %cond3A_97 = arith.cmpi ne, %convert_element_type3A, %cond3A : i32
      scf.if %cond3A_97 {
        %dma_wait3A_460 = arith.constant 0 : i32
        %dma_wait3A_461 = arith.constant 0 : i32
        %dma_wait3A_462 = tpu.memref_slice %arg10[%dma_wait3A_460, %dma_wait3A_461] : memref<270336x128xf32, #tpu.memory_space<hbm>> -> memref<270336x128xf32, #tpu.memory_space<hbm>>
        tpu.wait_indirect_dma semaphore(%arg27 : memref<!tpu.dma_semaphore, #tpu.memory_space<semaphore_mem>>) src(%arg23 : memref<33x128xf32, #tpu.memory_space<vmem>>) dst(%dma_wait3A_462 : memref<270336x128xf32, #tpu.memory_space<hbm>>)
      } else {
      }
      %dma_start3A = arith.constant 0 : i32
      %dma_start3A_98 = arith.constant 0 : i32
      %dma_start3A_99 = tpu.memref_slice %arg2[%dma_start3A, %dma_start3A_98] : memref<65536x128xf32, #tpu.memory_space<hbm>> -> memref<65536x128xf32, #tpu.memory_space<hbm>>
      tpu.enqueue_indirect_dma source(%dma_start3A_99 : memref<65536x128xf32, #tpu.memory_space<hbm>>) target(%arg23 : memref<33x128xf32, #tpu.memory_space<vmem>>) offsets(%arg19 : memref<33xi32, #tpu.memory_space<vmem>>) semaphore(%arg25 : memref<!tpu.dma_semaphore, #tpu.memory_space<semaphore_mem>>)
      %get3A_100 = arith.index_cast %add3A_95 : i32 to index
      %get3A_101 = tpu.vector_load %arg14[%get3A_100] {strides = array<i32>} : memref<272xf32, #tpu.memory_space<vmem>>, vector<16xf32>,
      %slice3A_102 = vector.extract_strided_slice %get3A_101 {offsets = [0], sizes = [1], strides = [1]} : vector<16xf32> to vector<1xf32>
      %squeeze3A_103 = vector.extract %slice3A_102[0] : f32 from vector<1xf32>
      %get3A_104 = arith.index_cast %add3A_95 : i32 to index
      %get3A_105 = tpu.vector_load %arg15[%get3A_104] {strides = array<i32>} : memref<272xf32, #tpu.memory_space<vmem>>, vector<16xf32>,
      %slice3A_106 = vector.extract_strided_slice %get3A_105 {offsets = [0], sizes = [1], strides = [1]} : vector<16xf32> to vector<1xf32>
      %squeeze3A_107 = vector.extract %slice3A_106[0] : f32 from vector<1xf32>
      %get3A_108 = arith.index_cast %add3A_95 : i32 to index
      %get3A_109 = tpu.vector_load %arg16[%get3A_108] {strides = array<i32>} : memref<272xf32, #tpu.memory_space<vmem>>, vector<16xf32>,
      %slice3A_110 = vector.extract_strided_slice %get3A_109 {offsets = [0], sizes = [1], strides = [1]} : vector<16xf32> to vector<1xf32>
      %squeeze3A_111 = vector.extract %slice3A_110[0] : f32 from vector<1xf32>
      %get3A_112 = arith.index_cast %add3A_95 : i32 to index
      %get3A_113 = tpu.vector_load %arg17[%get3A_112] {strides = array<i32>} : memref<272xi32, #tpu.memory_space<vmem>>, vector<16xi32>,
      %slice3A_114 = vector.extract_strided_slice %get3A_113 {offsets = [0], sizes = [1], strides = [1]} : vector<16xi32> to vector<1xi32>
      %squeeze3A_115 = vector.extract %slice3A_114[0] : i32 from vector<1xi32>
      %swap3A_116 = arith.constant 0 : index
      %swap3A_117 = tpu.vector_load %arg18[%swap3A_116] {strides = array<i32>} : memref<1088xi32, #tpu.memory_space<vmem>>, vector<16xi32>,
      tpu.vector_store %arg18[%swap3A_116], %broadcast_in_dim3A_21 {strides = array<i32>} : memref<1088xi32, #tpu.memory_space<vmem>>, vector<16xi32>,
      %scan3A_118 = arith.constant 0 : i32
      %scan3A_119 = arith.constant 16 : i32
      %scan3A_120 = arith.addi %scan3A_118, %scan3A_119 : i32
      %scan3A_121 = arith.constant 1 : i32
      %scan3A_122 = scf.for %scan3A_460 = %scan3A_118 to %scan3A_120 step %scan3A_121 iter_args(%scan3A_461 = %broadcast_in_dim3A_21) -> (vector<16xi32>)  : i32 {
        %slice3A_462 = vector.extract_strided_slice %scan3A_461 {offsets = [0], sizes = [1], strides = [1]} : vector<16xi32> to vector<1xi32>
        %squeeze3A_463 = vector.extract %slice3A_462[0] : i32 from vector<1xi32>
        %lt3A_464 = arith.constant 32 : i32
        %lt3A_465 = arith.cmpi slt, %squeeze3A_463, %lt3A_464 : i32
        %convert_element_type3A_466 = arith.extui %lt3A_465 : i1 to i32
        %cond3A_467 = arith.constant 0 : i32
        %cond3A_468 = arith.cmpi ne, %convert_element_type3A_466, %cond3A_467 : i32
        %cond3A_469 = scf.if %cond3A_468 -> (vector<16xi32>) {
          %mul3A_470 = arith.constant 32 : i32
          %mul3A_471 = arith.muli %scan3A_460, %mul3A_470 : i32
          %mul3A_472 = arith.constant 16 : i32
          %mul3A_473 = arith.muli %mul3A_471, %mul3A_472 : i32
          %parallel_loop3A = arith.constant 0 : i32
          %parallel_loop3A_474 = arith.constant 512 : i32
          %parallel_loop3A_475 = arith.constant 16 : i32
          %parallel_loop3A_476 = scf.for %parallel_loop3A_477 = %parallel_loop3A to %parallel_loop3A_474 step %parallel_loop3A_475 iter_args(%parallel_loop3A_478 = %scan3A_461) -> (vector<16xi32>)  : i32 {
            %parallel_loop3A_479 = arith.addi %mul3A_473, %parallel_loop3A_477 : i32
            %parallel_loop3A_480 = arith.index_cast %parallel_loop3A_479 : i32 to index
            %parallel_loop3A_481 = tpu.vector_load %arg11[%parallel_loop3A_480] {strides = array<i32>} : memref<8192xf32, #tpu.memory_space<vmem>>, vector<16xf32>,
            %parallel_loop3A_482 = vector.broadcast %squeeze3A_103 : f32 to vector<16xf32>
            %parallel_loop3A_483 = arith.subf %parallel_loop3A_481, %parallel_loop3A_482 : vector<16xf32>
            %parallel_loop3A_484 = arith.mulf %parallel_loop3A_483, %parallel_loop3A_483 : vector<16xf32>
            %parallel_loop3A_485 = arith.index_cast %parallel_loop3A_479 : i32 to index
            %parallel_loop3A_486 = tpu.vector_load %arg12[%parallel_loop3A_485] {strides = array<i32>} : memref<8192xf32, #tpu.memory_space<vmem>>, vector<16xf32>,
            %parallel_loop3A_487 = vector.broadcast %squeeze3A_107 : f32 to vector<16xf32>
            %parallel_loop3A_488 = arith.subf %parallel_loop3A_486, %parallel_loop3A_487 : vector<16xf32>
            %parallel_loop3A_489 = arith.mulf %parallel_loop3A_488, %parallel_loop3A_488 : vector<16xf32>
            %parallel_loop3A_490 = arith.addf %parallel_loop3A_484, %parallel_loop3A_489 : vector<16xf32>
            %parallel_loop3A_491 = arith.index_cast %parallel_loop3A_479 : i32 to index
            %parallel_loop3A_492 = tpu.vector_load %arg13[%parallel_loop3A_491] {strides = array<i32>} : memref<8192xf32, #tpu.memory_space<vmem>>, vector<16xf32>,
            %parallel_loop3A_493 = vector.broadcast %squeeze3A_111 : f32 to vector<16xf32>
            %parallel_loop3A_494 = arith.subf %parallel_loop3A_492, %parallel_loop3A_493 : vector<16xf32>
            %parallel_loop3A_495 = arith.mulf %parallel_loop3A_494, %parallel_loop3A_494 : vector<16xf32>
            %parallel_loop3A_496 = arith.addf %parallel_loop3A_490, %parallel_loop3A_495 : vector<16xf32>
            %parallel_loop3A_497 = arith.constant 4.000000e-02 : f32
            %parallel_loop3A_498 = vector.broadcast %parallel_loop3A_497 : f32 to vector<16xf32>
            %parallel_loop3A_499 = arith.cmpf olt, %parallel_loop3A_496, %parallel_loop3A_498 : vector<16xf32>
            %parallel_loop3A_500 = arith.extui %parallel_loop3A_499 : vector<16xi1> to vector<16xi32>
            %parallel_loop3A_501 = arith.constant true
            %parallel_loop3A_502 = vector.broadcast %parallel_loop3A_501 : i1 to vector<16xi1>
            %parallel_loop3A_503 = tpu.scan <sum>, %parallel_loop3A_500 masked %parallel_loop3A_502 : vector<16xi32>, vector<16xi1> -> vector<16xi32>
            %parallel_loop3A_504 = arith.addi %parallel_loop3A_478, %parallel_loop3A_503 : vector<16xi32>
            %parallel_loop3A_505 = arith.constant 1 : i32
            %parallel_loop3A_506 = vector.broadcast %parallel_loop3A_505 : i32 to vector<16xi32>
            %parallel_loop3A_507 = arith.subi %parallel_loop3A_504, %parallel_loop3A_506 : vector<16xi32>
            %parallel_loop3A_508 = vector.broadcast %parallel_loop3A_479 : i32 to vector<16xi32>
            %parallel_loop3A_509 = arith.addi %iota3A, %parallel_loop3A_508 : vector<16xi32>
            tpu.vector_store_idx %arg18[%parallel_loop3A_507], %parallel_loop3A_509 masked %parallel_loop3A_499 : memref<1088xi32, #tpu.memory_space<vmem>>[vector<16xi32>], vector<16xi32>, vector<16xi1>
            %parallel_loop3A_510 = tpu.all_reduce %parallel_loop3A_499 {dim = 0 : i64, kind = #tpu.reduction_kind<sum>} : vector<16xi1> -> vector<16xi32>
            %parallel_loop3A_511 = arith.addi %parallel_loop3A_478, %parallel_loop3A_510 : vector<16xi32>
            scf.yield %parallel_loop3A_511 : vector<16xi32>
          } {sc.loop_unroll_factor = 4 : i64, sc.parallel_access}
          scf.yield %parallel_loop3A_476 : vector<16xi32>
        } else {
          scf.yield %scan3A_461 : vector<16xi32>
        }
        scf.yield %cond3A_469 : vector<16xi32>
      }
      %scan3A_123 = arith.constant 16 : i32
      %slice3A_124 = vector.extract_strided_slice %scan3A_122 {offsets = [0], sizes = [1], strides = [1]} : vector<16xi32> to vector<1xi32>
      %squeeze3A_125 = vector.extract %slice3A_124[0] : i32 from vector<1xi32>
      %get3A_126 = arith.constant 0 : index
      %get3A_127 = tpu.vector_load %arg18[%get3A_126] {strides = array<i32>} : memref<1088xi32, #tpu.memory_space<vmem>>, vector<16xi32>,
      %get3A_128 = arith.constant 16 : index
      %get3A_129 = tpu.vector_load %arg18[%get3A_128] {strides = array<i32>} : memref<1088xi32, #tpu.memory_space<vmem>>, vector<16xi32>,
      %slice3A_130 = vector.extract_strided_slice %get3A_127 {offsets = [0], sizes = [1], strides = [1]} : vector<16xi32> to vector<1xi32>
      %squeeze3A_131 = vector.extract %slice3A_130[0] : i32 from vector<1xi32>
      %lt3A_132 = vector.broadcast %squeeze3A_125 : i32 to vector<16xi32>
      %lt3A_133 = arith.cmpi slt, %iota3A, %lt3A_132 : vector<16xi32>
      %broadcast_in_dim3A_134 = vector.broadcast %squeeze3A_131 : i32 to vector<16xi32>
      %select_n3A_135 = arith.select %lt3A_133, %get3A_127, %broadcast_in_dim3A_134 : vector<16xi1>, vector<16xi32>
      %add3A_136 = vector.broadcast %mul3A_20 : i32 to vector<16xi32>
      %add3A_137 = arith.addi %select_n3A_135, %add3A_136 : vector<16xi32>
      %add3A_138 = arith.constant 16 : i32
      %add3A_139 = vector.broadcast %add3A_138 : i32 to vector<16xi32>
      %add3A_140 = arith.addi %iota3A, %add3A_139 : vector<16xi32>
      %lt3A_141 = vector.broadcast %squeeze3A_125 : i32 to vector<16xi32>
      %lt3A_142 = arith.cmpi slt, %add3A_140, %lt3A_141 : vector<16xi32>
      %broadcast_in_dim3A_143 = vector.broadcast %squeeze3A_131 : i32 to vector<16xi32>
      %select_n3A_144 = arith.select %lt3A_142, %get3A_129, %broadcast_in_dim3A_143 : vector<16xi1>, vector<16xi32>
      %add3A_145 = vector.broadcast %mul3A_20 : i32 to vector<16xi32>
      %add3A_146 = arith.addi %select_n3A_144, %add3A_145 : vector<16xi32>
      %eq3A_147 = arith.constant 0 : i32
      %eq3A_148 = vector.broadcast %eq3A_147 : i32 to vector<16xi32>
      %eq3A_149 = arith.cmpi eq, %iota3A, %eq3A_148 : vector<16xi32>
      %add3A_150 = arith.addi %squeeze3A_115, %mul3A_20 : i32
      %jit3A_151 = arith.constant 0 : i32
      %broadcast_in_dim3A_152 = vector.broadcast %add3A_150 : i32 to vector<16xi32>
      %broadcast_in_dim3A_153 = vector.broadcast %jit3A_151 : i32 to vector<16xi32>
      %select_n3A_154 = arith.select %eq3A_149, %broadcast_in_dim3A_152, %broadcast_in_dim3A_153 : vector<16xi1>, vector<16xi32>
      %swap3A_155 = arith.constant 0 : index
      %swap3A_156 = tpu.vector_load %arg20[%swap3A_155] {strides = array<i32>} : memref<33xi32, #tpu.memory_space<vmem>>, vector<16xi32>,
      tpu.vector_store %arg20[%swap3A_155], %select_n3A_154 {strides = array<i32>} : memref<33xi32, #tpu.memory_space<vmem>>, vector<16xi32>,
      %swap3A_157 = arith.constant 1 : index
      %swap3A_158 = tpu.vector_load %arg20[%swap3A_157] {strides = array<i32>} : memref<33xi32, #tpu.memory_space<vmem>>, vector<16xi32>,
      tpu.vector_store %arg20[%swap3A_157], %add3A_137 {strides = array<i32>} : memref<33xi32, #tpu.memory_space<vmem>>, vector<16xi32>,
      %swap3A_159 = arith.constant 17 : index
      %swap3A_160 = tpu.vector_load %arg20[%swap3A_159] {strides = array<i32>} : memref<33xi32, #tpu.memory_space<vmem>>, vector<16xi32>,
      tpu.vector_store %arg20[%swap3A_159], %add3A_146 {strides = array<i32>} : memref<33xi32, #tpu.memory_space<vmem>>, vector<16xi32>,
      %gt3A_161 = arith.constant 0 : i32
      %gt3A_162 = arith.cmpi sgt, %scan3A_91, %gt3A_161 : i32
      %convert_element_type3A_163 = arith.extui %gt3A_162 : i1 to i32
      %cond3A_164 = arith.constant 0 : i32
      %cond3A_165 = arith.cmpi ne, %convert_element_type3A_163, %cond3A_164 : i32
      scf.if %cond3A_165 {
        %dma_wait3A_460 = arith.constant 0 : i32
        %dma_wait3A_461 = arith.constant 0 : i32
        %dma_wait3A_462 = tpu.memref_slice %arg10[%dma_wait3A_460, %dma_wait3A_461] : memref<270336x128xf32, #tpu.memory_space<hbm>> -> memref<270336x128xf32, #tpu.memory_space<hbm>>
        tpu.wait_indirect_dma semaphore(%arg28 : memref<!tpu.dma_semaphore, #tpu.memory_space<semaphore_mem>>) src(%arg24 : memref<33x128xf32, #tpu.memory_space<vmem>>) dst(%dma_wait3A_462 : memref<270336x128xf32, #tpu.memory_space<hbm>>)
      } else {
      }
      %dma_start3A_166 = arith.constant 0 : i32
      %dma_start3A_167 = arith.constant 0 : i32
      %dma_start3A_168 = tpu.memref_slice %arg2[%dma_start3A_166, %dma_start3A_167] : memref<65536x128xf32, #tpu.memory_space<hbm>> -> memref<65536x128xf32, #tpu.memory_space<hbm>>
      tpu.enqueue_indirect_dma source(%dma_start3A_168 : memref<65536x128xf32, #tpu.memory_space<hbm>>) target(%arg24 : memref<33x128xf32, #tpu.memory_space<vmem>>) offsets(%arg20 : memref<33xi32, #tpu.memory_space<vmem>>) semaphore(%arg26 : memref<!tpu.dma_semaphore, #tpu.memory_space<semaphore_mem>>)
      %dma_wait3A_169 = arith.constant 0 : i32
      %dma_wait3A_170 = arith.constant 0 : i32
      %dma_wait3A_171 = tpu.memref_slice %arg2[%dma_wait3A_169, %dma_wait3A_170] : memref<65536x128xf32, #tpu.memory_space<hbm>> -> memref<65536x128xf32, #tpu.memory_space<hbm>>
      tpu.wait_indirect_dma semaphore(%arg25 : memref<!tpu.dma_semaphore, #tpu.memory_space<semaphore_mem>>) src(%dma_wait3A_171 : memref<65536x128xf32, #tpu.memory_space<hbm>>) dst(%arg23 : memref<33x128xf32, #tpu.memory_space<vmem>>)
      %get3A_172 = arith.index_cast %mul3A_93 : i32 to index
      %get3A_173 = tpu.vector_load %arg14[%get3A_172] {strides = array<i32>} : memref<272xf32, #tpu.memory_space<vmem>>, vector<16xf32>,
      %slice3A_174 = vector.extract_strided_slice %get3A_173 {offsets = [0], sizes = [1], strides = [1]} : vector<16xf32> to vector<1xf32>
      %squeeze3A_175 = vector.extract %slice3A_174[0] : f32 from vector<1xf32>
      %get3A_176 = arith.index_cast %mul3A_93 : i32 to index
      %get3A_177 = tpu.vector_load %arg15[%get3A_176] {strides = array<i32>} : memref<272xf32, #tpu.memory_space<vmem>>, vector<16xf32>,
      %slice3A_178 = vector.extract_strided_slice %get3A_177 {offsets = [0], sizes = [1], strides = [1]} : vector<16xf32> to vector<1xf32>
      %squeeze3A_179 = vector.extract %slice3A_178[0] : f32 from vector<1xf32>
      %get3A_180 = arith.index_cast %mul3A_93 : i32 to index
      %get3A_181 = tpu.vector_load %arg16[%get3A_180] {strides = array<i32>} : memref<272xf32, #tpu.memory_space<vmem>>, vector<16xf32>,
      %slice3A_182 = vector.extract_strided_slice %get3A_181 {offsets = [0], sizes = [1], strides = [1]} : vector<16xf32> to vector<1xf32>
      %squeeze3A_183 = vector.extract %slice3A_182[0] : f32 from vector<1xf32>
      %add3A_184 = arith.constant 0 : i32
      %add3A_185 = vector.broadcast %add3A_184 : i32 to vector<16xi32>
      %add3A_186 = arith.addi %iota3A, %add3A_185 : vector<16xi32>
      %lt3A_187 = arith.constant 33 : i32
      %lt3A_188 = vector.broadcast %lt3A_187 : i32 to vector<16xi32>
      %lt3A_189 = arith.cmpi slt, %add3A_186, %lt3A_188 : vector<16xi32>
      %min3A = arith.constant 32 : i32
      %min3A_190 = vector.broadcast %min3A : i32 to vector<16xi32>
      %min3A_191 = arith.minsi %add3A_186, %min3A_190 : vector<16xi32>
      %broadcast_in_dim3A_192 = arith.constant 3 : i32
      %broadcast_in_dim3A_193 = vector.broadcast %broadcast_in_dim3A_192 : i32 to vector<16xi32>
      %gather3A = tpu.vector_load_idx %arg23[%min3A_191, %broadcast_in_dim3A_193] masked %lt3A_189 : memref<33x128xf32, #tpu.memory_space<vmem>>[vector<16xi32>, vector<16xi32>], vector<16xf32>, vector<16xi1>
      %sub3A_194 = vector.broadcast %squeeze3A_175 : f32 to vector<16xf32>
      %sub3A_195 = arith.subf %gather3A, %sub3A_194 : vector<16xf32>
      tpu.vector_store_idx %arg23[%min3A_191, %broadcast_in_dim3A_193], %sub3A_195 masked %lt3A_189 : memref<33x128xf32, #tpu.memory_space<vmem>>[vector<16xi32>, vector<16xi32>], vector<16xf32>, vector<16xi1>
      %broadcast_in_dim3A_196 = arith.constant 4 : i32
      %broadcast_in_dim3A_197 = vector.broadcast %broadcast_in_dim3A_196 : i32 to vector<16xi32>
      %gather3A_198 = tpu.vector_load_idx %arg23[%min3A_191, %broadcast_in_dim3A_197] masked %lt3A_189 : memref<33x128xf32, #tpu.memory_space<vmem>>[vector<16xi32>, vector<16xi32>], vector<16xf32>, vector<16xi1>
      %sub3A_199 = vector.broadcast %squeeze3A_179 : f32 to vector<16xf32>
      %sub3A_200 = arith.subf %gather3A_198, %sub3A_199 : vector<16xf32>
      tpu.vector_store_idx %arg23[%min3A_191, %broadcast_in_dim3A_197], %sub3A_200 masked %lt3A_189 : memref<33x128xf32, #tpu.memory_space<vmem>>[vector<16xi32>, vector<16xi32>], vector<16xf32>, vector<16xi1>
      %broadcast_in_dim3A_201 = arith.constant 5 : i32
      %broadcast_in_dim3A_202 = vector.broadcast %broadcast_in_dim3A_201 : i32 to vector<16xi32>
      %gather3A_203 = tpu.vector_load_idx %arg23[%min3A_191, %broadcast_in_dim3A_202] masked %lt3A_189 : memref<33x128xf32, #tpu.memory_space<vmem>>[vector<16xi32>, vector<16xi32>], vector<16xf32>, vector<16xi1>
      %sub3A_204 = vector.broadcast %squeeze3A_183 : f32 to vector<16xf32>
      %sub3A_205 = arith.subf %gather3A_203, %sub3A_204 : vector<16xf32>
      tpu.vector_store_idx %arg23[%min3A_191, %broadcast_in_dim3A_202], %sub3A_205 masked %lt3A_189 : memref<33x128xf32, #tpu.memory_space<vmem>>[vector<16xi32>, vector<16xi32>], vector<16xf32>, vector<16xi1>
      %add3A_206 = arith.constant 16 : i32
      %add3A_207 = vector.broadcast %add3A_206 : i32 to vector<16xi32>
      %add3A_208 = arith.addi %iota3A, %add3A_207 : vector<16xi32>
      %lt3A_209 = arith.constant 33 : i32
      %lt3A_210 = vector.broadcast %lt3A_209 : i32 to vector<16xi32>
      %lt3A_211 = arith.cmpi slt, %add3A_208, %lt3A_210 : vector<16xi32>
      %min3A_212 = arith.constant 32 : i32
      %min3A_213 = vector.broadcast %min3A_212 : i32 to vector<16xi32>
      %min3A_214 = arith.minsi %add3A_208, %min3A_213 : vector<16xi32>
      %broadcast_in_dim3A_215 = arith.constant 3 : i32
      %broadcast_in_dim3A_216 = vector.broadcast %broadcast_in_dim3A_215 : i32 to vector<16xi32>
      %gather3A_217 = tpu.vector_load_idx %arg23[%min3A_214, %broadcast_in_dim3A_216] masked %lt3A_211 : memref<33x128xf32, #tpu.memory_space<vmem>>[vector<16xi32>, vector<16xi32>], vector<16xf32>, vector<16xi1>
      %sub3A_218 = vector.broadcast %squeeze3A_175 : f32 to vector<16xf32>
      %sub3A_219 = arith.subf %gather3A_217, %sub3A_218 : vector<16xf32>
      tpu.vector_store_idx %arg23[%min3A_214, %broadcast_in_dim3A_216], %sub3A_219 masked %lt3A_211 : memref<33x128xf32, #tpu.memory_space<vmem>>[vector<16xi32>, vector<16xi32>], vector<16xf32>, vector<16xi1>
      %broadcast_in_dim3A_220 = arith.constant 4 : i32
      %broadcast_in_dim3A_221 = vector.broadcast %broadcast_in_dim3A_220 : i32 to vector<16xi32>
      %gather3A_222 = tpu.vector_load_idx %arg23[%min3A_214, %broadcast_in_dim3A_221] masked %lt3A_211 : memref<33x128xf32, #tpu.memory_space<vmem>>[vector<16xi32>, vector<16xi32>], vector<16xf32>, vector<16xi1>
      %sub3A_223 = vector.broadcast %squeeze3A_179 : f32 to vector<16xf32>
      %sub3A_224 = arith.subf %gather3A_222, %sub3A_223 : vector<16xf32>
      tpu.vector_store_idx %arg23[%min3A_214, %broadcast_in_dim3A_221], %sub3A_224 masked %lt3A_211 : memref<33x128xf32, #tpu.memory_space<vmem>>[vector<16xi32>, vector<16xi32>], vector<16xf32>, vector<16xi1>
      %broadcast_in_dim3A_225 = arith.constant 5 : i32
      %broadcast_in_dim3A_226 = vector.broadcast %broadcast_in_dim3A_225 : i32 to vector<16xi32>
      %gather3A_227 = tpu.vector_load_idx %arg23[%min3A_214, %broadcast_in_dim3A_226] masked %lt3A_211 : memref<33x128xf32, #tpu.memory_space<vmem>>[vector<16xi32>, vector<16xi32>], vector<16xf32>, vector<16xi1>
      %sub3A_228 = vector.broadcast %squeeze3A_183 : f32 to vector<16xf32>
      %sub3A_229 = arith.subf %gather3A_227, %sub3A_228 : vector<16xf32>
      tpu.vector_store_idx %arg23[%min3A_214, %broadcast_in_dim3A_226], %sub3A_229 masked %lt3A_211 : memref<33x128xf32, #tpu.memory_space<vmem>>[vector<16xi32>, vector<16xi32>], vector<16xf32>, vector<16xi1>
      %add3A_230 = arith.constant 32 : i32
      %add3A_231 = vector.broadcast %add3A_230 : i32 to vector<16xi32>
      %add3A_232 = arith.addi %iota3A, %add3A_231 : vector<16xi32>
      %lt3A_233 = arith.constant 33 : i32
      %lt3A_234 = vector.broadcast %lt3A_233 : i32 to vector<16xi32>
      %lt3A_235 = arith.cmpi slt, %add3A_232, %lt3A_234 : vector<16xi32>
      %min3A_236 = arith.constant 32 : i32
      %min3A_237 = vector.broadcast %min3A_236 : i32 to vector<16xi32>
      %min3A_238 = arith.minsi %add3A_232, %min3A_237 : vector<16xi32>
      %broadcast_in_dim3A_239 = arith.constant 3 : i32
      %broadcast_in_dim3A_240 = vector.broadcast %broadcast_in_dim3A_239 : i32 to vector<16xi32>
      %gather3A_241 = tpu.vector_load_idx %arg23[%min3A_238, %broadcast_in_dim3A_240] masked %lt3A_235 : memref<33x128xf32, #tpu.memory_space<vmem>>[vector<16xi32>, vector<16xi32>], vector<16xf32>, vector<16xi1>
      %sub3A_242 = vector.broadcast %squeeze3A_175 : f32 to vector<16xf32>
      %sub3A_243 = arith.subf %gather3A_241, %sub3A_242 : vector<16xf32>
      tpu.vector_store_idx %arg23[%min3A_238, %broadcast_in_dim3A_240], %sub3A_243 masked %lt3A_235 : memref<33x128xf32, #tpu.memory_space<vmem>>[vector<16xi32>, vector<16xi32>], vector<16xf32>, vector<16xi1>
      %broadcast_in_dim3A_244 = arith.constant 4 : i32
      %broadcast_in_dim3A_245 = vector.broadcast %broadcast_in_dim3A_244 : i32 to vector<16xi32>
      %gather3A_246 = tpu.vector_load_idx %arg23[%min3A_238, %broadcast_in_dim3A_245] masked %lt3A_235 : memref<33x128xf32, #tpu.memory_space<vmem>>[vector<16xi32>, vector<16xi32>], vector<16xf32>, vector<16xi1>
      %sub3A_247 = vector.broadcast %squeeze3A_179 : f32 to vector<16xf32>
      %sub3A_248 = arith.subf %gather3A_246, %sub3A_247 : vector<16xf32>
      tpu.vector_store_idx %arg23[%min3A_238, %broadcast_in_dim3A_245], %sub3A_248 masked %lt3A_235 : memref<33x128xf32, #tpu.memory_space<vmem>>[vector<16xi32>, vector<16xi32>], vector<16xf32>, vector<16xi1>
      %broadcast_in_dim3A_249 = arith.constant 5 : i32
      %broadcast_in_dim3A_250 = vector.broadcast %broadcast_in_dim3A_249 : i32 to vector<16xi32>
      %gather3A_251 = tpu.vector_load_idx %arg23[%min3A_238, %broadcast_in_dim3A_250] masked %lt3A_235 : memref<33x128xf32, #tpu.memory_space<vmem>>[vector<16xi32>, vector<16xi32>], vector<16xf32>, vector<16xi1>
      %sub3A_252 = vector.broadcast %squeeze3A_183 : f32 to vector<16xf32>
      %sub3A_253 = arith.subf %gather3A_251, %sub3A_252 : vector<16xf32>
      tpu.vector_store_idx %arg23[%min3A_238, %broadcast_in_dim3A_250], %sub3A_253 masked %lt3A_235 : memref<33x128xf32, #tpu.memory_space<vmem>>[vector<16xi32>, vector<16xi32>], vector<16xf32>, vector<16xi1>
      %add3A_254 = arith.addi %mul3A_2, %mul3A_93 : i32
      %mul3A_255 = arith.constant 33 : i32
      %mul3A_256 = arith.muli %add3A_254, %mul3A_255 : i32
      %add3A_257 = vector.broadcast %mul3A_256 : i32 to vector<16xi32>
      %add3A_258 = arith.addi %iota3A, %add3A_257 : vector<16xi32>
      %swap3A_259 = arith.constant 0 : index
      %swap3A_260 = tpu.vector_load %arg21[%swap3A_259] {strides = array<i32>} : memref<33xi32, #tpu.memory_space<vmem>>, vector<16xi32>,
      tpu.vector_store %arg21[%swap3A_259], %add3A_258 {strides = array<i32>} : memref<33xi32, #tpu.memory_space<vmem>>, vector<16xi32>,
      %add3A_261 = vector.broadcast %mul3A_256 : i32 to vector<16xi32>
      %add3A_262 = arith.addi %iota3A, %add3A_261 : vector<16xi32>
      %add3A_263 = arith.constant 1 : i32
      %add3A_264 = vector.broadcast %add3A_263 : i32 to vector<16xi32>
      %add3A_265 = arith.addi %add3A_262, %add3A_264 : vector<16xi32>
      %swap3A_266 = arith.constant 1 : index
      %swap3A_267 = tpu.vector_load %arg21[%swap3A_266] {strides = array<i32>} : memref<33xi32, #tpu.memory_space<vmem>>, vector<16xi32>,
      tpu.vector_store %arg21[%swap3A_266], %add3A_265 {strides = array<i32>} : memref<33xi32, #tpu.memory_space<vmem>>, vector<16xi32>,
      %add3A_268 = vector.broadcast %mul3A_256 : i32 to vector<16xi32>
      %add3A_269 = arith.addi %iota3A, %add3A_268 : vector<16xi32>
      %add3A_270 = arith.constant 1 : i32
      %add3A_271 = vector.broadcast %add3A_270 : i32 to vector<16xi32>
      %add3A_272 = arith.addi %add3A_269, %add3A_271 : vector<16xi32>
      %add3A_273 = arith.constant 16 : i32
      %add3A_274 = vector.broadcast %add3A_273 : i32 to vector<16xi32>
      %add3A_275 = arith.addi %add3A_272, %add3A_274 : vector<16xi32>
      %swap3A_276 = arith.constant 17 : index
      %swap3A_277 = tpu.vector_load %arg21[%swap3A_276] {strides = array<i32>} : memref<33xi32, #tpu.memory_space<vmem>>, vector<16xi32>,
      tpu.vector_store %arg21[%swap3A_276], %add3A_275 {strides = array<i32>} : memref<33xi32, #tpu.memory_space<vmem>>, vector<16xi32>,
      %dma_start3A_278 = arith.constant 0 : i32
      %dma_start3A_279 = arith.constant 0 : i32
      %dma_start3A_280 = tpu.memref_slice %arg10[%dma_start3A_278, %dma_start3A_279] : memref<270336x128xf32, #tpu.memory_space<hbm>> -> memref<270336x128xf32, #tpu.memory_space<hbm>>
      tpu.enqueue_indirect_dma source(%arg23 : memref<33x128xf32, #tpu.memory_space<vmem>>) target(%dma_start3A_280 : memref<270336x128xf32, #tpu.memory_space<hbm>>) offsets(%arg21 : memref<33xi32, #tpu.memory_space<vmem>>) semaphore(%arg27 : memref<!tpu.dma_semaphore, #tpu.memory_space<semaphore_mem>>)
      %add3A_281 = arith.constant 2 : i32
      %add3A_282 = arith.addi %mul3A_93, %add3A_281 : i32
      %min3A_283 = arith.constant 255 : i32
      %min3A_284 = arith.minsi %add3A_282, %min3A_283 : i32
      %get3A_285 = arith.index_cast %min3A_284 : i32 to index
      %get3A_286 = tpu.vector_load %arg14[%get3A_285] {strides = array<i32>} : memref<272xf32, #tpu.memory_space<vmem>>, vector<16xf32>,
      %slice3A_287 = vector.extract_strided_slice %get3A_286 {offsets = [0], sizes = [1], strides = [1]} : vector<16xf32> to vector<1xf32>
      %squeeze3A_288 = vector.extract %slice3A_287[0] : f32 from vector<1xf32>
      %get3A_289 = arith.index_cast %min3A_284 : i32 to index
      %get3A_290 = tpu.vector_load %arg15[%get3A_289] {strides = array<i32>} : memref<272xf32, #tpu.memory_space<vmem>>, vector<16xf32>,
      %slice3A_291 = vector.extract_strided_slice %get3A_290 {offsets = [0], sizes = [1], strides = [1]} : vector<16xf32> to vector<1xf32>
      %squeeze3A_292 = vector.extract %slice3A_291[0] : f32 from vector<1xf32>
      %get3A_293 = arith.index_cast %min3A_284 : i32 to index
      %get3A_294 = tpu.vector_load %arg16[%get3A_293] {strides = array<i32>} : memref<272xf32, #tpu.memory_space<vmem>>, vector<16xf32>,
      %slice3A_295 = vector.extract_strided_slice %get3A_294 {offsets = [0], sizes = [1], strides = [1]} : vector<16xf32> to vector<1xf32>
      %squeeze3A_296 = vector.extract %slice3A_295[0] : f32 from vector<1xf32>
      %get3A_297 = arith.index_cast %min3A_284 : i32 to index
      %get3A_298 = tpu.vector_load %arg17[%get3A_297] {strides = array<i32>} : memref<272xi32, #tpu.memory_space<vmem>>, vector<16xi32>,
      %slice3A_299 = vector.extract_strided_slice %get3A_298 {offsets = [0], sizes = [1], strides = [1]} : vector<16xi32> to vector<1xi32>
      %squeeze3A_300 = vector.extract %slice3A_299[0] : i32 from vector<1xi32>
      %swap3A_301 = arith.constant 0 : index
      %swap3A_302 = tpu.vector_load %arg18[%swap3A_301] {strides = array<i32>} : memref<1088xi32, #tpu.memory_space<vmem>>, vector<16xi32>,
      tpu.vector_store %arg18[%swap3A_301], %broadcast_in_dim3A_21 {strides = array<i32>} : memref<1088xi32, #tpu.memory_space<vmem>>, vector<16xi32>,
      %scan3A_303 = arith.constant 0 : i32
      %scan3A_304 = arith.constant 16 : i32
      %scan3A_305 = arith.addi %scan3A_303, %scan3A_304 : i32
      %scan3A_306 = arith.constant 1 : i32
      %scan3A_307 = scf.for %scan3A_460 = %scan3A_303 to %scan3A_305 step %scan3A_306 iter_args(%scan3A_461 = %broadcast_in_dim3A_21) -> (vector<16xi32>)  : i32 {
        %slice3A_462 = vector.extract_strided_slice %scan3A_461 {offsets = [0], sizes = [1], strides = [1]} : vector<16xi32> to vector<1xi32>
        %squeeze3A_463 = vector.extract %slice3A_462[0] : i32 from vector<1xi32>
        %lt3A_464 = arith.constant 32 : i32
        %lt3A_465 = arith.cmpi slt, %squeeze3A_463, %lt3A_464 : i32
        %convert_element_type3A_466 = arith.extui %lt3A_465 : i1 to i32
        %cond3A_467 = arith.constant 0 : i32
        %cond3A_468 = arith.cmpi ne, %convert_element_type3A_466, %cond3A_467 : i32
        %cond3A_469 = scf.if %cond3A_468 -> (vector<16xi32>) {
          %mul3A_470 = arith.constant 32 : i32
          %mul3A_471 = arith.muli %scan3A_460, %mul3A_470 : i32
          %mul3A_472 = arith.constant 16 : i32
          %mul3A_473 = arith.muli %mul3A_471, %mul3A_472 : i32
          %parallel_loop3A = arith.constant 0 : i32
          %parallel_loop3A_474 = arith.constant 512 : i32
          %parallel_loop3A_475 = arith.constant 16 : i32
          %parallel_loop3A_476 = scf.for %parallel_loop3A_477 = %parallel_loop3A to %parallel_loop3A_474 step %parallel_loop3A_475 iter_args(%parallel_loop3A_478 = %scan3A_461) -> (vector<16xi32>)  : i32 {
            %parallel_loop3A_479 = arith.addi %mul3A_473, %parallel_loop3A_477 : i32
            %parallel_loop3A_480 = arith.index_cast %parallel_loop3A_479 : i32 to index
            %parallel_loop3A_481 = tpu.vector_load %arg11[%parallel_loop3A_480] {strides = array<i32>} : memref<8192xf32, #tpu.memory_space<vmem>>, vector<16xf32>,
            %parallel_loop3A_482 = vector.broadcast %squeeze3A_288 : f32 to vector<16xf32>
            %parallel_loop3A_483 = arith.subf %parallel_loop3A_481, %parallel_loop3A_482 : vector<16xf32>
            %parallel_loop3A_484 = arith.mulf %parallel_loop3A_483, %parallel_loop3A_483 : vector<16xf32>
            %parallel_loop3A_485 = arith.index_cast %parallel_loop3A_479 : i32 to index
            %parallel_loop3A_486 = tpu.vector_load %arg12[%parallel_loop3A_485] {strides = array<i32>} : memref<8192xf32, #tpu.memory_space<vmem>>, vector<16xf32>,
            %parallel_loop3A_487 = vector.broadcast %squeeze3A_292 : f32 to vector<16xf32>
            %parallel_loop3A_488 = arith.subf %parallel_loop3A_486, %parallel_loop3A_487 : vector<16xf32>
            %parallel_loop3A_489 = arith.mulf %parallel_loop3A_488, %parallel_loop3A_488 : vector<16xf32>
            %parallel_loop3A_490 = arith.addf %parallel_loop3A_484, %parallel_loop3A_489 : vector<16xf32>
            %parallel_loop3A_491 = arith.index_cast %parallel_loop3A_479 : i32 to index
            %parallel_loop3A_492 = tpu.vector_load %arg13[%parallel_loop3A_491] {strides = array<i32>} : memref<8192xf32, #tpu.memory_space<vmem>>, vector<16xf32>,
            %parallel_loop3A_493 = vector.broadcast %squeeze3A_296 : f32 to vector<16xf32>
            %parallel_loop3A_494 = arith.subf %parallel_loop3A_492, %parallel_loop3A_493 : vector<16xf32>
            %parallel_loop3A_495 = arith.mulf %parallel_loop3A_494, %parallel_loop3A_494 : vector<16xf32>
            %parallel_loop3A_496 = arith.addf %parallel_loop3A_490, %parallel_loop3A_495 : vector<16xf32>
            %parallel_loop3A_497 = arith.constant 4.000000e-02 : f32
            %parallel_loop3A_498 = vector.broadcast %parallel_loop3A_497 : f32 to vector<16xf32>
            %parallel_loop3A_499 = arith.cmpf olt, %parallel_loop3A_496, %parallel_loop3A_498 : vector<16xf32>
            %parallel_loop3A_500 = arith.extui %parallel_loop3A_499 : vector<16xi1> to vector<16xi32>
            %parallel_loop3A_501 = arith.constant true
            %parallel_loop3A_502 = vector.broadcast %parallel_loop3A_501 : i1 to vector<16xi1>
            %parallel_loop3A_503 = tpu.scan <sum>, %parallel_loop3A_500 masked %parallel_loop3A_502 : vector<16xi32>, vector<16xi1> -> vector<16xi32>
            %parallel_loop3A_504 = arith.addi %parallel_loop3A_478, %parallel_loop3A_503 : vector<16xi32>
            %parallel_loop3A_505 = arith.constant 1 : i32
            %parallel_loop3A_506 = vector.broadcast %parallel_loop3A_505 : i32 to vector<16xi32>
            %parallel_loop3A_507 = arith.subi %parallel_loop3A_504, %parallel_loop3A_506 : vector<16xi32>
            %parallel_loop3A_508 = vector.broadcast %parallel_loop3A_479 : i32 to vector<16xi32>
            %parallel_loop3A_509 = arith.addi %iota3A, %parallel_loop3A_508 : vector<16xi32>
            tpu.vector_store_idx %arg18[%parallel_loop3A_507], %parallel_loop3A_509 masked %parallel_loop3A_499 : memref<1088xi32, #tpu.memory_space<vmem>>[vector<16xi32>], vector<16xi32>, vector<16xi1>
            %parallel_loop3A_510 = tpu.all_reduce %parallel_loop3A_499 {dim = 0 : i64, kind = #tpu.reduction_kind<sum>} : vector<16xi1> -> vector<16xi32>
            %parallel_loop3A_511 = arith.addi %parallel_loop3A_478, %parallel_loop3A_510 : vector<16xi32>
            scf.yield %parallel_loop3A_511 : vector<16xi32>
          } {sc.loop_unroll_factor = 4 : i64, sc.parallel_access}
          scf.yield %parallel_loop3A_476 : vector<16xi32>
        } else {
          scf.yield %scan3A_461 : vector<16xi32>
        }
        scf.yield %cond3A_469 : vector<16xi32>
      }
      %scan3A_308 = arith.constant 16 : i32
      %slice3A_309 = vector.extract_strided_slice %scan3A_307 {offsets = [0], sizes = [1], strides = [1]} : vector<16xi32> to vector<1xi32>
      %squeeze3A_310 = vector.extract %slice3A_309[0] : i32 from vector<1xi32>
      %get3A_311 = arith.constant 0 : index
      %get3A_312 = tpu.vector_load %arg18[%get3A_311] {strides = array<i32>} : memref<1088xi32, #tpu.memory_space<vmem>>, vector<16xi32>,
      %get3A_313 = arith.constant 16 : index
      %get3A_314 = tpu.vector_load %arg18[%get3A_313] {strides = array<i32>} : memref<1088xi32, #tpu.memory_space<vmem>>, vector<16xi32>,
      %slice3A_315 = vector.extract_strided_slice %get3A_312 {offsets = [0], sizes = [1], strides = [1]} : vector<16xi32> to vector<1xi32>
      %squeeze3A_316 = vector.extract %slice3A_315[0] : i32 from vector<1xi32>
      %lt3A_317 = vector.broadcast %squeeze3A_310 : i32 to vector<16xi32>
      %lt3A_318 = arith.cmpi slt, %iota3A, %lt3A_317 : vector<16xi32>
      %broadcast_in_dim3A_319 = vector.broadcast %squeeze3A_316 : i32 to vector<16xi32>
      %select_n3A_320 = arith.select %lt3A_318, %get3A_312, %broadcast_in_dim3A_319 : vector<16xi1>, vector<16xi32>
      %add3A_321 = vector.broadcast %mul3A_20 : i32 to vector<16xi32>
      %add3A_322 = arith.addi %select_n3A_320, %add3A_321 : vector<16xi32>
      %add3A_323 = arith.constant 16 : i32
      %add3A_324 = vector.broadcast %add3A_323 : i32 to vector<16xi32>
      %add3A_325 = arith.addi %iota3A, %add3A_324 : vector<16xi32>
      %lt3A_326 = vector.broadcast %squeeze3A_310 : i32 to vector<16xi32>
      %lt3A_327 = arith.cmpi slt, %add3A_325, %lt3A_326 : vector<16xi32>
      %broadcast_in_dim3A_328 = vector.broadcast %squeeze3A_316 : i32 to vector<16xi32>
      %select_n3A_329 = arith.select %lt3A_327, %get3A_314, %broadcast_in_dim3A_328 : vector<16xi1>, vector<16xi32>
      %add3A_330 = vector.broadcast %mul3A_20 : i32 to vector<16xi32>
      %add3A_331 = arith.addi %select_n3A_329, %add3A_330 : vector<16xi32>
      %eq3A_332 = arith.constant 0 : i32
      %eq3A_333 = vector.broadcast %eq3A_332 : i32 to vector<16xi32>
      %eq3A_334 = arith.cmpi eq, %iota3A, %eq3A_333 : vector<16xi32>
      %add3A_335 = arith.addi %squeeze3A_300, %mul3A_20 : i32
      %jit3A_336 = arith.constant 0 : i32
      %broadcast_in_dim3A_337 = vector.broadcast %add3A_335 : i32 to vector<16xi32>
      %broadcast_in_dim3A_338 = vector.broadcast %jit3A_336 : i32 to vector<16xi32>
      %select_n3A_339 = arith.select %eq3A_334, %broadcast_in_dim3A_337, %broadcast_in_dim3A_338 : vector<16xi1>, vector<16xi32>
      %swap3A_340 = arith.constant 0 : index
      %swap3A_341 = tpu.vector_load %arg19[%swap3A_340] {strides = array<i32>} : memref<33xi32, #tpu.memory_space<vmem>>, vector<16xi32>,
      tpu.vector_store %arg19[%swap3A_340], %select_n3A_339 {strides = array<i32>} : memref<33xi32, #tpu.memory_space<vmem>>, vector<16xi32>,
      %swap3A_342 = arith.constant 1 : index
      %swap3A_343 = tpu.vector_load %arg19[%swap3A_342] {strides = array<i32>} : memref<33xi32, #tpu.memory_space<vmem>>, vector<16xi32>,
      tpu.vector_store %arg19[%swap3A_342], %add3A_322 {strides = array<i32>} : memref<33xi32, #tpu.memory_space<vmem>>, vector<16xi32>,
      %swap3A_344 = arith.constant 17 : index
      %swap3A_345 = tpu.vector_load %arg19[%swap3A_344] {strides = array<i32>} : memref<33xi32, #tpu.memory_space<vmem>>, vector<16xi32>,
      tpu.vector_store %arg19[%swap3A_344], %add3A_331 {strides = array<i32>} : memref<33xi32, #tpu.memory_space<vmem>>, vector<16xi32>,
      %dma_wait3A_346 = arith.constant 0 : i32
      %dma_wait3A_347 = arith.constant 0 : i32
      %dma_wait3A_348 = tpu.memref_slice %arg2[%dma_wait3A_346, %dma_wait3A_347] : memref<65536x128xf32, #tpu.memory_space<hbm>> -> memref<65536x128xf32, #tpu.memory_space<hbm>>
      tpu.wait_indirect_dma semaphore(%arg26 : memref<!tpu.dma_semaphore, #tpu.memory_space<semaphore_mem>>) src(%dma_wait3A_348 : memref<65536x128xf32, #tpu.memory_space<hbm>>) dst(%arg24 : memref<33x128xf32, #tpu.memory_space<vmem>>)
      %get3A_349 = arith.index_cast %add3A_95 : i32 to index
      %get3A_350 = tpu.vector_load %arg14[%get3A_349] {strides = array<i32>} : memref<272xf32, #tpu.memory_space<vmem>>, vector<16xf32>,
      %slice3A_351 = vector.extract_strided_slice %get3A_350 {offsets = [0], sizes = [1], strides = [1]} : vector<16xf32> to vector<1xf32>
      %squeeze3A_352 = vector.extract %slice3A_351[0] : f32 from vector<1xf32>
      %get3A_353 = arith.index_cast %add3A_95 : i32 to index
      %get3A_354 = tpu.vector_load %arg15[%get3A_353] {strides = array<i32>} : memref<272xf32, #tpu.memory_space<vmem>>, vector<16xf32>,
      %slice3A_355 = vector.extract_strided_slice %get3A_354 {offsets = [0], sizes = [1], strides = [1]} : vector<16xf32> to vector<1xf32>
      %squeeze3A_356 = vector.extract %slice3A_355[0] : f32 from vector<1xf32>
      %get3A_357 = arith.index_cast %add3A_95 : i32 to index
      %get3A_358 = tpu.vector_load %arg16[%get3A_357] {strides = array<i32>} : memref<272xf32, #tpu.memory_space<vmem>>, vector<16xf32>,
      %slice3A_359 = vector.extract_strided_slice %get3A_358 {offsets = [0], sizes = [1], strides = [1]} : vector<16xf32> to vector<1xf32>
      %squeeze3A_360 = vector.extract %slice3A_359[0] : f32 from vector<1xf32>
      %add3A_361 = arith.constant 0 : i32
      %add3A_362 = vector.broadcast %add3A_361 : i32 to vector<16xi32>
      %add3A_363 = arith.addi %iota3A, %add3A_362 : vector<16xi32>
      %lt3A_364 = arith.constant 33 : i32
      %lt3A_365 = vector.broadcast %lt3A_364 : i32 to vector<16xi32>
      %lt3A_366 = arith.cmpi slt, %add3A_363, %lt3A_365 : vector<16xi32>
      %min3A_367 = arith.constant 32 : i32
      %min3A_368 = vector.broadcast %min3A_367 : i32 to vector<16xi32>
      %min3A_369 = arith.minsi %add3A_363, %min3A_368 : vector<16xi32>
      %broadcast_in_dim3A_370 = arith.constant 3 : i32
      %broadcast_in_dim3A_371 = vector.broadcast %broadcast_in_dim3A_370 : i32 to vector<16xi32>
      %gather3A_372 = tpu.vector_load_idx %arg24[%min3A_369, %broadcast_in_dim3A_371] masked %lt3A_366 : memref<33x128xf32, #tpu.memory_space<vmem>>[vector<16xi32>, vector<16xi32>], vector<16xf32>, vector<16xi1>
      %sub3A_373 = vector.broadcast %squeeze3A_352 : f32 to vector<16xf32>
      %sub3A_374 = arith.subf %gather3A_372, %sub3A_373 : vector<16xf32>
      tpu.vector_store_idx %arg24[%min3A_369, %broadcast_in_dim3A_371], %sub3A_374 masked %lt3A_366 : memref<33x128xf32, #tpu.memory_space<vmem>>[vector<16xi32>, vector<16xi32>], vector<16xf32>, vector<16xi1>
      %broadcast_in_dim3A_375 = arith.constant 4 : i32
      %broadcast_in_dim3A_376 = vector.broadcast %broadcast_in_dim3A_375 : i32 to vector<16xi32>
      %gather3A_377 = tpu.vector_load_idx %arg24[%min3A_369, %broadcast_in_dim3A_376] masked %lt3A_366 : memref<33x128xf32, #tpu.memory_space<vmem>>[vector<16xi32>, vector<16xi32>], vector<16xf32>, vector<16xi1>
      %sub3A_378 = vector.broadcast %squeeze3A_356 : f32 to vector<16xf32>
      %sub3A_379 = arith.subf %gather3A_377, %sub3A_378 : vector<16xf32>
      tpu.vector_store_idx %arg24[%min3A_369, %broadcast_in_dim3A_376], %sub3A_379 masked %lt3A_366 : memref<33x128xf32, #tpu.memory_space<vmem>>[vector<16xi32>, vector<16xi32>], vector<16xf32>, vector<16xi1>
      %broadcast_in_dim3A_380 = arith.constant 5 : i32
      %broadcast_in_dim3A_381 = vector.broadcast %broadcast_in_dim3A_380 : i32 to vector<16xi32>
      %gather3A_382 = tpu.vector_load_idx %arg24[%min3A_369, %broadcast_in_dim3A_381] masked %lt3A_366 : memref<33x128xf32, #tpu.memory_space<vmem>>[vector<16xi32>, vector<16xi32>], vector<16xf32>, vector<16xi1>
      %sub3A_383 = vector.broadcast %squeeze3A_360 : f32 to vector<16xf32>
      %sub3A_384 = arith.subf %gather3A_382, %sub3A_383 : vector<16xf32>
      tpu.vector_store_idx %arg24[%min3A_369, %broadcast_in_dim3A_381], %sub3A_384 masked %lt3A_366 : memref<33x128xf32, #tpu.memory_space<vmem>>[vector<16xi32>, vector<16xi32>], vector<16xf32>, vector<16xi1>
      %add3A_385 = arith.constant 16 : i32
      %add3A_386 = vector.broadcast %add3A_385 : i32 to vector<16xi32>
      %add3A_387 = arith.addi %iota3A, %add3A_386 : vector<16xi32>
      %lt3A_388 = arith.constant 33 : i32
      %lt3A_389 = vector.broadcast %lt3A_388 : i32 to vector<16xi32>
      %lt3A_390 = arith.cmpi slt, %add3A_387, %lt3A_389 : vector<16xi32>
      %min3A_391 = arith.constant 32 : i32
      %min3A_392 = vector.broadcast %min3A_391 : i32 to vector<16xi32>
      %min3A_393 = arith.minsi %add3A_387, %min3A_392 : vector<16xi32>
      %broadcast_in_dim3A_394 = arith.constant 3 : i32
      %broadcast_in_dim3A_395 = vector.broadcast %broadcast_in_dim3A_394 : i32 to vector<16xi32>
      %gather3A_396 = tpu.vector_load_idx %arg24[%min3A_393, %broadcast_in_dim3A_395] masked %lt3A_390 : memref<33x128xf32, #tpu.memory_space<vmem>>[vector<16xi32>, vector<16xi32>], vector<16xf32>, vector<16xi1>
      %sub3A_397 = vector.broadcast %squeeze3A_352 : f32 to vector<16xf32>
      %sub3A_398 = arith.subf %gather3A_396, %sub3A_397 : vector<16xf32>
      tpu.vector_store_idx %arg24[%min3A_393, %broadcast_in_dim3A_395], %sub3A_398 masked %lt3A_390 : memref<33x128xf32, #tpu.memory_space<vmem>>[vector<16xi32>, vector<16xi32>], vector<16xf32>, vector<16xi1>
      %broadcast_in_dim3A_399 = arith.constant 4 : i32
      %broadcast_in_dim3A_400 = vector.broadcast %broadcast_in_dim3A_399 : i32 to vector<16xi32>
      %gather3A_401 = tpu.vector_load_idx %arg24[%min3A_393, %broadcast_in_dim3A_400] masked %lt3A_390 : memref<33x128xf32, #tpu.memory_space<vmem>>[vector<16xi32>, vector<16xi32>], vector<16xf32>, vector<16xi1>
      %sub3A_402 = vector.broadcast %squeeze3A_356 : f32 to vector<16xf32>
      %sub3A_403 = arith.subf %gather3A_401, %sub3A_402 : vector<16xf32>
      tpu.vector_store_idx %arg24[%min3A_393, %broadcast_in_dim3A_400], %sub3A_403 masked %lt3A_390 : memref<33x128xf32, #tpu.memory_space<vmem>>[vector<16xi32>, vector<16xi32>], vector<16xf32>, vector<16xi1>
      %broadcast_in_dim3A_404 = arith.constant 5 : i32
      %broadcast_in_dim3A_405 = vector.broadcast %broadcast_in_dim3A_404 : i32 to vector<16xi32>
      %gather3A_406 = tpu.vector_load_idx %arg24[%min3A_393, %broadcast_in_dim3A_405] masked %lt3A_390 : memref<33x128xf32, #tpu.memory_space<vmem>>[vector<16xi32>, vector<16xi32>], vector<16xf32>, vector<16xi1>
      %sub3A_407 = vector.broadcast %squeeze3A_360 : f32 to vector<16xf32>
      %sub3A_408 = arith.subf %gather3A_406, %sub3A_407 : vector<16xf32>
      tpu.vector_store_idx %arg24[%min3A_393, %broadcast_in_dim3A_405], %sub3A_408 masked %lt3A_390 : memref<33x128xf32, #tpu.memory_space<vmem>>[vector<16xi32>, vector<16xi32>], vector<16xf32>, vector<16xi1>
      %add3A_409 = arith.constant 32 : i32
      %add3A_410 = vector.broadcast %add3A_409 : i32 to vector<16xi32>
      %add3A_411 = arith.addi %iota3A, %add3A_410 : vector<16xi32>
      %lt3A_412 = arith.constant 33 : i32
      %lt3A_413 = vector.broadcast %lt3A_412 : i32 to vector<16xi32>
      %lt3A_414 = arith.cmpi slt, %add3A_411, %lt3A_413 : vector<16xi32>
      %min3A_415 = arith.constant 32 : i32
      %min3A_416 = vector.broadcast %min3A_415 : i32 to vector<16xi32>
      %min3A_417 = arith.minsi %add3A_411, %min3A_416 : vector<16xi32>
      %broadcast_in_dim3A_418 = arith.constant 3 : i32
      %broadcast_in_dim3A_419 = vector.broadcast %broadcast_in_dim3A_418 : i32 to vector<16xi32>
      %gather3A_420 = tpu.vector_load_idx %arg24[%min3A_417, %broadcast_in_dim3A_419] masked %lt3A_414 : memref<33x128xf32, #tpu.memory_space<vmem>>[vector<16xi32>, vector<16xi32>], vector<16xf32>, vector<16xi1>
      %sub3A_421 = vector.broadcast %squeeze3A_352 : f32 to vector<16xf32>
      %sub3A_422 = arith.subf %gather3A_420, %sub3A_421 : vector<16xf32>
      tpu.vector_store_idx %arg24[%min3A_417, %broadcast_in_dim3A_419], %sub3A_422 masked %lt3A_414 : memref<33x128xf32, #tpu.memory_space<vmem>>[vector<16xi32>, vector<16xi32>], vector<16xf32>, vector<16xi1>
      %broadcast_in_dim3A_423 = arith.constant 4 : i32
      %broadcast_in_dim3A_424 = vector.broadcast %broadcast_in_dim3A_423 : i32 to vector<16xi32>
      %gather3A_425 = tpu.vector_load_idx %arg24[%min3A_417, %broadcast_in_dim3A_424] masked %lt3A_414 : memref<33x128xf32, #tpu.memory_space<vmem>>[vector<16xi32>, vector<16xi32>], vector<16xf32>, vector<16xi1>
      %sub3A_426 = vector.broadcast %squeeze3A_356 : f32 to vector<16xf32>
      %sub3A_427 = arith.subf %gather3A_425, %sub3A_426 : vector<16xf32>
      tpu.vector_store_idx %arg24[%min3A_417, %broadcast_in_dim3A_424], %sub3A_427 masked %lt3A_414 : memref<33x128xf32, #tpu.memory_space<vmem>>[vector<16xi32>, vector<16xi32>], vector<16xf32>, vector<16xi1>
      %broadcast_in_dim3A_428 = arith.constant 5 : i32
      %broadcast_in_dim3A_429 = vector.broadcast %broadcast_in_dim3A_428 : i32 to vector<16xi32>
      %gather3A_430 = tpu.vector_load_idx %arg24[%min3A_417, %broadcast_in_dim3A_429] masked %lt3A_414 : memref<33x128xf32, #tpu.memory_space<vmem>>[vector<16xi32>, vector<16xi32>], vector<16xf32>, vector<16xi1>
      %sub3A_431 = vector.broadcast %squeeze3A_360 : f32 to vector<16xf32>
      %sub3A_432 = arith.subf %gather3A_430, %sub3A_431 : vector<16xf32>
      tpu.vector_store_idx %arg24[%min3A_417, %broadcast_in_dim3A_429], %sub3A_432 masked %lt3A_414 : memref<33x128xf32, #tpu.memory_space<vmem>>[vector<16xi32>, vector<16xi32>], vector<16xf32>, vector<16xi1>
      %add3A_433 = arith.addi %mul3A_2, %add3A_95 : i32
      %mul3A_434 = arith.constant 33 : i32
      %mul3A_435 = arith.muli %add3A_433, %mul3A_434 : i32
      %add3A_436 = vector.broadcast %mul3A_435 : i32 to vector<16xi32>
      %add3A_437 = arith.addi %iota3A, %add3A_436 : vector<16xi32>
      %swap3A_438 = arith.constant 0 : index
      %swap3A_439 = tpu.vector_load %arg22[%swap3A_438] {strides = array<i32>} : memref<33xi32, #tpu.memory_space<vmem>>, vector<16xi32>,
      tpu.vector_store %arg22[%swap3A_438], %add3A_437 {strides = array<i32>} : memref<33xi32, #tpu.memory_space<vmem>>, vector<16xi32>,
      %add3A_440 = vector.broadcast %mul3A_435 : i32 to vector<16xi32>
      %add3A_441 = arith.addi %iota3A, %add3A_440 : vector<16xi32>
      %add3A_442 = arith.constant 1 : i32
      %add3A_443 = vector.broadcast %add3A_442 : i32 to vector<16xi32>
      %add3A_444 = arith.addi %add3A_441, %add3A_443 : vector<16xi32>
      %swap3A_445 = arith.constant 1 : index
      %swap3A_446 = tpu.vector_load %arg22[%swap3A_445] {strides = array<i32>} : memref<33xi32, #tpu.memory_space<vmem>>, vector<16xi32>,
      tpu.vector_store %arg22[%swap3A_445], %add3A_444 {strides = array<i32>} : memref<33xi32, #tpu.memory_space<vmem>>, vector<16xi32>,
      %add3A_447 = vector.broadcast %mul3A_435 : i32 to vector<16xi32>
      %add3A_448 = arith.addi %iota3A, %add3A_447 : vector<16xi32>
      %add3A_449 = arith.constant 1 : i32
      %add3A_450 = vector.broadcast %add3A_449 : i32 to vector<16xi32>
      %add3A_451 = arith.addi %add3A_448, %add3A_450 : vector<16xi32>
      %add3A_452 = arith.constant 16 : i32
      %add3A_453 = vector.broadcast %add3A_452 : i32 to vector<16xi32>
      %add3A_454 = arith.addi %add3A_451, %add3A_453 : vector<16xi32>
      %swap3A_455 = arith.constant 17 : index
      %swap3A_456 = tpu.vector_load %arg22[%swap3A_455] {strides = array<i32>} : memref<33xi32, #tpu.memory_space<vmem>>, vector<16xi32>,
      tpu.vector_store %arg22[%swap3A_455], %add3A_454 {strides = array<i32>} : memref<33xi32, #tpu.memory_space<vmem>>, vector<16xi32>,
      %dma_start3A_457 = arith.constant 0 : i32
      %dma_start3A_458 = arith.constant 0 : i32
      %dma_start3A_459 = tpu.memref_slice %arg10[%dma_start3A_457, %dma_start3A_458] : memref<270336x128xf32, #tpu.memory_space<hbm>> -> memref<270336x128xf32, #tpu.memory_space<hbm>>
      tpu.enqueue_indirect_dma source(%arg24 : memref<33x128xf32, #tpu.memory_space<vmem>>) target(%dma_start3A_459 : memref<270336x128xf32, #tpu.memory_space<hbm>>) offsets(%arg22 : memref<33xi32, #tpu.memory_space<vmem>>) semaphore(%arg28 : memref<!tpu.dma_semaphore, #tpu.memory_space<semaphore_mem>>)
    }
    %scan3A_85 = arith.constant 128 : i32
    %dma_wait3A = arith.constant 0 : i32
    %dma_wait3A_86 = arith.constant 0 : i32
    %dma_wait3A_87 = tpu.memref_slice %arg10[%dma_wait3A, %dma_wait3A_86] : memref<270336x128xf32, #tpu.memory_space<hbm>> -> memref<270336x128xf32, #tpu.memory_space<hbm>>
    tpu.wait_indirect_dma semaphore(%arg27 : memref<!tpu.dma_semaphore, #tpu.memory_space<semaphore_mem>>) src(%arg23 : memref<33x128xf32, #tpu.memory_space<vmem>>) dst(%dma_wait3A_87 : memref<270336x128xf32, #tpu.memory_space<hbm>>)
    %dma_wait3A_88 = arith.constant 0 : i32
    %dma_wait3A_89 = arith.constant 0 : i32
    %dma_wait3A_90 = tpu.memref_slice %arg10[%dma_wait3A_88, %dma_wait3A_89] : memref<270336x128xf32, #tpu.memory_space<hbm>> -> memref<270336x128xf32, #tpu.memory_space<hbm>>
    tpu.wait_indirect_dma semaphore(%arg28 : memref<!tpu.dma_semaphore, #tpu.memory_space<semaphore_mem>>) src(%arg24 : memref<33x128xf32, #tpu.memory_space<vmem>>) dst(%dma_wait3A_90 : memref<270336x128xf32, #tpu.memory_space<hbm>>)
    return
  }
}

</mosaic_0001>

<sc_bundles>
// kernel: kernel.3.cloned.1.call-start
scs
__scs_entry_jumppad:
0x0: {  	(pc) =	sbr.rel $0x88, $3  }
0x1: {  	(tag) =	ssettag $0x0;
	lr =	simm.s32 $0x1  }
0x2: {  	[smem:$0x3F9D] =	sst lr;
	_ =	strace $0xD0000000  }
0x3: {  	_ = 	snop  }
0x4: {  	_ = 	snop  }
0x5: {  	_ = 	snop  }
0x6: {  	_ = 	snop  }
0x7: {  	_ = 	snop  }
__scs_overlays_trampoline_lowered:
0x8: {  	[smem:$0x3FAC] =	sst s0  }
0x9: {  	[smem:$0x3FAD] =	sst s1  }
0xa: {  	[smem:$0x3FAE] =	sst s2  }
0xb: {  	[smem:$0x3FAF] =	sst s3  }
0xc: {  	[smem:$0x3FB0] =	sst s4  }
0xd: {  	[smem:$0x3FB1] =	sst s5  }
0xe: {  	[smem:$0x3FB2] =	sst s6  }
0xf: {  	[smem:$0x3FB3] =	sst s7  }
0x10: {  	[smem:$0x3FB4] =	sst s8  }
0x11: {  	[smem:$0x3FB5] =	sst s9;
	s0 =	simm.s32 @!p0 $0x0  }
0x12: {  	s1 =	sld [smem:$0x3F9B];
	s0 =	simm.s32 @p0 $0x1  }
0x13: {  	[smem:$0x3FB6] =	sst s0;
	s0 =	simm.s32 @!p1 $0x0  }
0x14: {  	s2 =	sld [smem:$0x3F9A];
	s0 =	simm.s32 @p1 $0x1  }
0x15: {  	[smem:$0x3FB7] =	sst s0;
	s0 =	simm.s32 @!p2 $0x0  }
0x16: {  	s3 =	sld [smem:$0x3FDB];
	s0 =	simm.s32 @p2 $0x1  }
0x17: {  	s4 =	simm.s32 $0x1BF5;
	[smem:$0x3FB9] =	sst s0  }
0x18: {  	s0 =	sld [smem:$0x3F9C];
	_ =	swait.ge [sflag:s4], $0x0  }
0x19: {  	s7 =	sld [smem:$0x3F9D]  }
0x1a: {  	s8 =	sadd.s32 $0xFFFFE003, lr  }
0x1b: {  	s9 =	sadd.s32 $0xFFFFFEF7, lr;
	s5 =	simm.s32 $0xFFFFFFFF;
	p2 =	slt.u32 s8, $0xFFFFF086  }
0x1c: {  	p1 =	slt.u32 s9, $0xF7A;
	s5 =	simm.s32 @!p2 $0x0  }
0x1d: {  	s5 =	simm.s32 @p1 $0x1;
	p0 =	seq.s32 s7, s2  }
0x1e: {  	s7 =	smul.u32 @!p0 $0xF7A, s2;
	p2 =	seq.s32 @!p0 s5, $0x0  }
0x1f: {  	s9 =	smul.u32 $0xF7A, s1;
	s8 =	simm.s32 @!p0 $0x1BF5;
	p2 =	por !p2, p0  }
0x20: {  	[sflag:s8] =	ssyncset.s32 @!p0 $0xFFFFF086;
	s6 =	sadd.s32 @!p0 s3, s7;
	s7 =	simm.s32 @!p0 $0x108  }
0x21: {  	s3 =	sadd.s32 s3, s9;
	s6 =	sadd.s32 @!p0 $0x88, s6;
	s7 =	simm.s32 @p2 $0x1082  }
0x22: {  	[simem:s7], [sflag:s8] =	dma.local @!p0 [hbm:s6], $0xF7A  }
0x23: {  	s9 =	sor.u32 $0xD0000000, s2;
	s6 =	simm.s32 $0x108;
	_ =	swait.ge @!p0 [sflag:s8], $0x0  }
0x24: {  	s3 =	sadd.s32 $0x88, s3;
	s6 =	simm.s32 @!p1 $0x1082;
	[sflag:s4] =	ssyncset.s32 $0xFFFFF086  }
0x25: {  	[simem:s6], [sflag:s4] =	dma.local [hbm:s3], $0xF7A  }
0x26: {  	[smem:$0x3F9D] =	sst s1;
	(tag) =	ssettag s2;
	_ =	strace s9  }
0x27: {  	s1 =	sld [smem:$0x3FAD]  }
0x28: {  	s2 =	sld [smem:$0x3FAE]  }
0x29: {  	s4 =	sld [smem:$0x3FB0]  }
0x2a: {  	p0 =	seq.s32 s5, $0x0;
	s5 =	sld [smem:$0x3FB1]  }
0x2b: {  	s6 =	sld [smem:$0x3FB2]  }
0x2c: {  	s7 =	sld [smem:$0x3FB3]  }
0x2d: {  	s3 =	simm.s32 $0x108;
	s8 =	sld [smem:$0x3FB4]  }
0x2e: {  	s3 =	simm.s32 @!p0 $0x1082;
	s9 =	sld [smem:$0x3FB5]  }
0x2f: {  	lr =	sadd.s32 s0, s3;
	s0 =	sld [smem:$0x3FAC]  }
0x30: {  	s3 =	sld [smem:$0x3FAF]  }
0x31: {  	[smem:$0x3FB8] =	sst s10  }
0x32: {  	s10 =	sld [smem:$0x3FB6];
	_ =	sdelay $0x3  }
0x33: {  	p0 =	seq.s32 s10, $0x1;
	s10 =	sld [smem:$0x3FB8];
	_ =	sdelay $0x3  }
0x34: {  	[smem:$0x3FB8] =	sst s10  }
0x35: {  	s10 =	sld [smem:$0x3FB7];
	_ =	sdelay $0x3  }
0x36: {  	p1 =	seq.s32 s10, $0x1;
	s10 =	sld [smem:$0x3FB8];
	_ =	sdelay $0x3  }
0x37: {  	[smem:$0x3FB8] =	sst s10  }
0x38: {  	s10 =	sld [smem:$0x3FB9]  }
0x39: {  	_ = 	snop;
	(pc) =	sbr.ind lr, $3  }
0x3a: {  	_ = 	snop  }
0x3b: {  	_ = 	snop  }
0x3c: {  	p2 =	seq.s32 s10, $0x1;
	s10 =	sld [smem:$0x3FB8]  }
0x3d: {  	_ =	shalt  }
0x3e: {  	_ =	shalt  }
0x3f: {  	_ =	shalt  }
0x40: {  	_ =	shalt  }
0x41: {  	_ =	shalt  }
0x42: {  	_ =	shalt  }
0x43: {  	_ =	shalt  }
0x44: {  	_ =	shalt  }
0x45: {  	_ =	shalt  }
0x46: {  	_ =	shalt  }
0x47: {  	_ =	shalt  }
0x48: {  	_ =	shalt  }
0x49: {  	_ =	shalt  }
0x4a: {  	_ =	shalt  }
0x4b: {  	_ =	shalt  }
0x4c: {  	_ =	shalt  }
0x4d: {  	_ =	shalt  }
0x4e: {  	_ =	shalt  }
0x4f: {  	_ =	shalt  }
0x50: {  	_ =	shalt  }
0x51: {  	_ =	shalt  }
0x52: {  	_ =	shalt  }
0x53: {  	_ =	shalt  }
0x54: {  	_ =	shalt  }
0x55: {  	_ =	shalt  }
0x56: {  	_ =	shalt  }
0x57: {  	_ =	shalt  }
0x58: {  	_ =	shalt  }
0x59: {  	_ =	shalt  }
0x5a: {  	_ =	shalt  }
0x5b: {  	_ =	shalt  }
0x5c: {  	_ =	shalt  }
0x5d: {  	_ =	shalt  }
0x5e: {  	_ =	shalt  }
0x5f: {  	_ =	shalt  }
0x60: {  	_ =	shalt  }
0x61: {  	_ =	shalt  }
0x62: {  	_ =	shalt  }
0x63: {  	_ =	shalt  }
0x64: {  	_ =	shalt  }
0x65: {  	_ =	shalt  }
0x66: {  	_ =	shalt  }
0x67: {  	_ =	shalt  }
0x68: {  	_ =	shalt  }
0x69: {  	_ =	shalt  }
0x6a: {  	_ =	shalt  }
0x6b: {  	_ =	shalt  }
0x6c: {  	_ =	shalt  }
0x6d: {  	_ =	shalt  }
0x6e: {  	_ =	shalt  }
0x6f: {  	_ =	shalt  }
0x70: {  	_ =	shalt  }
0x71: {  	_ =	shalt  }
0x72: {  	_ =	shalt  }
0x73: {  	_ =	shalt  }
0x74: {  	_ =	shalt  }
0x75: {  	_ =	shalt  }
0x76: {  	_ =	shalt  }
0x77: {  	_ =	shalt  }
0x78: {  	_ =	shalt  }
0x79: {  	_ =	shalt  }
0x7a: {  	_ =	shalt  }
0x7b: {  	_ =	shalt  }
0x7c: {  	_ =	shalt  }
0x7d: {  	_ =	shalt  }
0x7e: {  	_ =	shalt  }
0x7f: {  	_ =	shalt  }
0x80: {  	_ =	shalt  }
0x81: {  	_ =	shalt  }
0x82: {  	_ =	shalt  }
0x83: {  	_ =	shalt  }
0x84: {  	_ =	shalt  }
0x85: {  	_ =	shalt  }
0x86: {  	_ =	shalt  }
0x87: {  	_ =	shalt  }
.Lfunc_end0:
.L_simem_size_0:
called_computation.2_lowered:
.L_overlay_start_0:
0x88: {  	s2 =	sld [smem:$0x3FD9]  }
0x89: {  	s3 =	sld [smem:$0x3FFE];
	_ =	sdelay $0x1  }
0x8a: {  	s1 =	srdreg.scid  }
0x8b: {  	s0 =	sand.u32 $0x1, s1  }
0x8c: {  	s16 =	sshll.u32 s0, $0xA;
	s2 =	sadd.s32 s3, s2  }
0x8d: {  	s2 =	sadd.s32 s2, s16  }
0x8e: {  	[smem:$0x3FC4] =	sst s2  }
0x8f: {  	_ = 	snop  }
0x90: {  	(tm) =	ssettm $0x1  }
0x91: {  	s17 =	sld [smem:$0x3FFB];
	_ =	sdelay $0x3  }
0x92: {  	_ =	strace s17  }
0x93: {  	s2 =	sld [smem:$0x3FFC];
	_ =	sdelay $0x3  }
0x94: {  	_ =	strace s2  }
0x95: {  	s2 =	sld [smem:$0x3FFD];
	_ =	sdelay $0x3  }
0x96: {  	_ =	strace s2  }
0x97: {  	_ =	strace $0x8FFFFFFF  }
0x98: {  	s18 =	sld [smem:$0x3FDB];
	_ =	sdelay $0x1  }
0x99: {  	s19 =	simm.s32 $_scs_section_size  }
0x9a: {  	s4 =	simm.s32 $_size__tile_overlayer_lowered;
	s5 =	simm.s32 $_tile_overlayer_lowered  }
0x9b: {  	s22 =	simm.s32 $0x1BFF;
	s21 =	sshll.u32 s5, $0x1;
	s2 =	sadd.s32 s19, s18  }
0x9c: {  	s6 =	simm.s32 $0x0;
	s20 =	sshll.u32 s4, $0x1;
	s4 =	sadd.s32 s21, s2  }
0x9d: {  	[timem:s6], [sflag:s22] =	dma.local [hbm:s4], s20  }
0x9e: {  	_ =	swait.ge [sflag:s22], s20  }
0x9f: {  	s3 =	ssub.s32 $0x0, s20;
	[sflag:s22] =	ssyncset.done $0x0  }
0xa0: {  	[sflag:s22] =	ssyncadd.s32 s3;
	_ =	sdelay $0x1  }
0xa1: {  	s23 =	simm.s32 $0x1B8B  }
0xa2: {  	_ =	swait.ge [sflag:s23], $0x1  }
0xa3: {  	[sflag:s23] =	ssyncset.done $0x0  }
0xa4: {  	s25 =	simm.s32 $0x1B8E;
	s24 =	sld [smem:$0x3FFE];
	[sflag:s23] =	ssyncadd.s32 $0xFFFFFFFF  }
0xa5: {  	s26 =	simm.s32 $execute0_lowered;
	[smem:$0x3FD2] =	sst s25  }
0xa6: {  	s4 =	sshll.u32 s26, $0x1;
	_ =	strace $0x80000049;
	[dreg:$0x1] =	wrdreg $0xFFFFFFFF  }
0xa7: {  	s28 =	simm.s32 $_size_execute0_lowered;
	s2 =	sadd.s32 s2, s4;
	[dreg:$0x0] =	wrdreg $0x0  }
0xa8: {  	s4 =	sshll.u32 s28, $0x1;
	[dreg:$0x2] =	wrdreg s2  }
0xa9: {  	[dreg:$0x3] =	wrdreg s4  }
0xaa: {  	[dreg:$0x4] =	wrdreg $0xC0  }
0xab: {  	_ =	task [dreg:s6], $0x5FFFF  }
0xac: {  	[dreg:$0x1] =	wrdreg $0xFFFFFFFF  }
0xad: {  	[dreg:$0x0] =	wrdreg $0x60  }
0xae: {  	[dreg:$0x2] =	wrdreg s24  }
0xaf: {  	[dreg:$0x3] =	wrdreg $0x9  }
0xb0: {  	_ =	task.clear_ibuf [dreg:s6], $0x4FFFF;
	_ =	strace $0x90000049  }
0xb1: {  	s29 =	simm.s32 $0x9;
	_ =	strace $0x8000004B  }
0xb2: {  	_ =	swait.ge [sflag:s29], $0x1  }
0xb3: {  	[sflag:s29] =	ssyncadd.s32 $0xFFFFFFFF  }
0xb4: {  	_ =	strace $0x9000004B  }
0xb5: {  	_ =	sfence  }
0xb6: {  	s30 =	sld [smem:$0x0];
	_ =	sdelay $0x2  }
0xb7: {  	s31 =	sshll.u32 s1, $0xD;
	s1 =	sshrl.u32 s1, $0x2  }
0xb8: {  	s3 =	sand.u32 $0x4000, s31;
	s1 =	sadd.s32 s1, s30  }
0xb9: {  	s0 =	sor.u32 s3, s0;
	s1 =	sshll.u32 s1, $0x11  }
0xba: {  	s0 =	sor.u32 s1, s0  }
0xbb: {  	s0 =	sadd.s32 $0x8F2B, s0  }
0xbc: {  	[sflag:s0] =	ssyncadd.remote.s32 $0x1  }
0xbd: {  	_ =	sfence.sel $0xFFFF  }
0xbe: {  	[dreg:$0x0] =	wrdreg $0xFFFFFFFF;
	(pc) =	sbr.abs _section_cstart, $3  }
0xbf: {  	[dreg:$0x1] =	wrdreg $0xFFFFFFFF  }
0xc0: {  	_ =	task.clear_ibuf [dreg:s6], $0x2FFFF;
	_ =	strace $0x9FFFFFFF  }
0xc1: {  	(tm) =	ssettm $0x7FFFFFFF  }
tec
execute0_lowered:
.L_overlay_start_1:
0x0: {  	(tag) =	ssettag $0x1  }
0x1: {  	s0 =	rddreg [dreg:$0x0];
	s3 =	simm.s32 $0x0  }
0x2: {  	s2 =	stileid.u32;
	s1 =	srdreg.scid;
	s15 =	simm.s32 $0x5  }
0x3: {  	s28 =	simm.s32 $0x8080;
	s29 =	simm.s32 $0x1;
	s30 =	simm.s32 $0x6B80  }
0x4: {  	s31 =	simm.s32 $0x2;
	[smem:$0x7FF] =	sst s3;
	s17 =	sshll.u32 s2, $0xC  }
0x5: {  	s1 =	sand.u32 $0x1, s1;
	s4 =	sshll.u32 s2, $0x9;
	s3 =	sand.u32 $0xE000, s17  }
0x6: {  	s5 =	sshll.u32 s1, $0x8;
	_ =	strace $0x8000004A;
	s6 =	sshrl.u32 s3, $0x3  }
0x7: {  	s19 =	ssub.s32 $0x2, s1;
	s4 =	sor.u32 s5, s4;
	s7 =	sadd.s32 s6, s0  }
0x8: {  	s5 =	sadd.s32 $0x1800, s0;
	s1 =	sshrl.u32 s19, $0x1;
	s20 =	sadd.s32 $0x106000, s7  }
0x9: {  	s18 =	sshrl.u32 s4, $0x3;
	s21 =	sadd.s32 $0x104000, s7;
	[dreg:$0x2] =	wrdreg s20  }
0xa: {  	s8 =	sadd.s32 s18, s0;
	s24 =	sadd.s32 $0x102000, s7;
	[dreg:$0x3] =	wrdreg s21  }
0xb: {  	s6 =	sadd.s32 $0x108800, s0;
	s22 =	sadd.s32 $0x101C00, s8;
	[dreg:$0x6] =	wrdreg s24  }
0xc: {  	s0 =	ssub.s32 s19, s1;
	s23 =	sadd.s32 $0x108400, s8;
	[dreg:$0x4] =	wrdreg s22  }
.Ltmp0:
0xd: {  	s25 =	sadd.s32 $0x108000, s8;
	[dreg:$0x5] =	wrdreg s23;
	(pc) =	sbr.rel .LBB2_1-.Ltmp0, $4  }
0xe: {  	v0 =	vlaneseq.u32;
	v3 =	vimm.s32 $0x0;
	s7 =	simm.s32 $0x0;
	s26 =	sadd.s32 $0x101800, s8;
	[dreg:$0x7] =	wrdreg s25  }
0xf: {  	vm0 =	vcmask $0x300;
	v7 =	vimm.s32 $0x1003;
	v1 =	vmul.u32 $0x80, v0;
	s0 =	smax.u32 s0, $0x1;
	s24 =	simm.s32 $0x6A80;
	[dreg:$0x8] =	wrdreg s26  }
0x10: {  	v8 =	vimm.s32 $0x1004;
	v9 =	vimm.s32 $0x1005;
	v4 =	vor.u32 $0x10, v0;
	[dreg:$0x9] =	wrdreg s0;
	s22 =	simm.s32 $0x6600;
	s23 =	simm.s32 $0x21  }
0x11: {  	v2 =	vmov s3;
	v5 =	vor.u32 $0x3, v1;
	v6 =	vor.u32 $0x4, v1;
	s25 =	simm.s32 $0x6C80;
	s26 =	simm.s32 $0x6B00;
	s0 =	simm.s32 $0x6C00  }
.LBB2_21:
0x12: {  	s1 =	simm.s32 $0x3  }
0x13: {  	_ =	swait.ge [sflag:s1], $0x1080  }
0x14: {  	[sflag:s1] =	ssyncset.done $0x0  }
0x15: {  	s2 =	simm.s32 $0x4;
	[sflag:s1] =	ssyncadd.s32 $0xFFFFEF80  }
0x16: {  	_ =	swait.ge [sflag:s2], $0x1080  }
0x17: {  	s7 =	rddreg [dreg:$0xa]  }
0x18: {  	s21 =	rddreg [dreg:$0x9];
	s7 =	sadd.s32 $0x1, s7  }
0x19: {  	p0 =	sne.s32 s7, s21  }
.Ltmp1:
0x1a: {  	_ = 	snop;
	(pc) =	sbr.rel @!p0 .LBB2_22-.Ltmp1, $3  }
0x1b: {  	_ =	sdelay $0x1  }
0x1c: {  	[sflag:s2] =	ssyncset.done $0x0  }
0x1d: {  	[sflag:s2] =	ssyncadd.s32 $0xFFFFEF80  }
.LBB2_1:
0x1e: {  	[dreg:$0xa] =	wrdreg s7  }
0x1f: {  	s1 =	simm.s32 $0x0;
	s2 =	rddreg [dreg:$0x2]  }
0x20: {  	[tilespmem:s1], [sflag:$0x5] =	stream.linear.gather [hbm4b:s2+s1], $0x2000, $0x38;
	[tilespmem:$0x9480] =	vst v63  }
0x21: {  	_ =	swait.ge [sflag:s15], $0x2000  }
0x22: {  	[sflag:s15] =	ssyncset.done $0x0  }
0x23: {  	s10 =	simm.s32 $0x2000;
	s9 =	rddreg [dreg:$0x3];
	[sflag:s15] =	ssyncadd.s32 $0xFFFFE000  }
0x24: {  	[tilespmem:s10], [sflag:$0x5] =	stream.linear.gather [hbm4b:s9+s1], $0x2000, $0x38;
	[tilespmem:$0x9480] =	vst v63  }
0x25: {  	_ =	swait.ge [sflag:s15], $0x2000  }
0x26: {  	[sflag:s15] =	ssyncset.done $0x0  }
0x27: {  	s12 =	simm.s32 $0x4000;
	s11 =	rddreg [dreg:$0x6];
	[sflag:s15] =	ssyncadd.s32 $0xFFFFE000  }
0x28: {  	[tilespmem:s12], [sflag:$0x5] =	stream.linear.gather [hbm4b:s11+s1], $0x2000, $0x38;
	[tilespmem:$0x9480] =	vst v63  }
0x29: {  	_ =	swait.ge [sflag:s15], $0x2000  }
0x2a: {  	[sflag:s15] =	ssyncset.done $0x0  }
0x2b: {  	s14 =	simm.s32 $0x6000;
	s13 =	rddreg [dreg:$0x4];
	[sflag:s15] =	ssyncadd.s32 $0xFFFFE000  }
0x2c: {  	[tilespmem:s14], [sflag:$0x5] =	stream.linear.gather [hbm4b:s13+s1], $0x100, $0x38;
	[tilespmem:$0x9480] =	vst v63  }
0x2d: {  	_ =	swait.ge [sflag:s15], $0x100  }
0x2e: {  	[sflag:s15] =	ssyncset.done $0x0  }
0x2f: {  	s17 =	simm.s32 $0x6180;
	s16 =	rddreg [dreg:$0x5];
	[sflag:s15] =	ssyncadd.s32 $0xFFFFFF00  }
0x30: {  	[tilespmem:s17], [sflag:$0x5] =	stream.linear.gather [hbm4b:s16+s1], $0x100, $0x38;
	[tilespmem:$0x9480] =	vst v63  }
0x31: {  	_ =	swait.ge [sflag:s15], $0x100  }
0x32: {  	[sflag:s15] =	ssyncset.done $0x0  }
0x33: {  	s19 =	simm.s32 $0x6300;
	s18 =	rddreg [dreg:$0x7];
	[sflag:s15] =	ssyncadd.s32 $0xFFFFFF00  }
0x34: {  	[tilespmem:s19], [sflag:$0x5] =	stream.linear.gather [hbm4b:s18+s1], $0x100, $0x38;
	[tilespmem:$0x9480] =	vst v63  }
0x35: {  	_ =	swait.ge [sflag:s15], $0x100  }
0x36: {  	[sflag:s15] =	ssyncset.done $0x0  }
0x37: {  	s21 =	simm.s32 $0x6480;
	s20 =	rddreg [dreg:$0x8];
	[sflag:s15] =	ssyncadd.s32 $0xFFFFFF00  }
0x38: {  	[tilespmem:s21], [sflag:$0x5] =	stream.linear.gather [hbm4b:s20+s1], $0x100, $0x38;
	[tilespmem:$0x9480] =	vst v63  }
0x39: {  	_ =	swait.ge [sflag:s15], $0x100  }
0x3a: {  	[sflag:s15] =	ssyncset.done $0x0  }
.Ltmp2:
0x3b: {  	[sflag:s15] =	ssyncadd.s32 $0xFFFFFF00;
	(pc) =	sbr.rel .LBB2_2-.Ltmp2, $4  }
0x3c: {  	v10 =	vld.msk [tilespmem:$0x6000 ss:$0x0], $0xffff  }
0x3d: {  	v11 =	vld.msk [tilespmem:$0x6180 ss:$0x0], $0xffff  }
0x3e: {  	s7 =	simm.s32 $0x2020;
	s8 =	simm.s32 $0x0;
	v12 =	vld.msk [tilespmem:$0x6300 ss:$0x0], $0xffff  }
0x3f: {  	v15 =	vimm.s32 $0x0;
	s18 =	simm.s32 $0x20;
	s19 =	simm.s32 $0x4020;
	s20 =	simm.s32 $0x0;
	v13 =	vld [tilespmem:$0x6480];
	[tilespmem:$0x6600] =	vst v3  }
.LBB2_6:
0x40: {  	s8 =	sadd.s32 $0x1, s8  }
0x41: {  	p0 =	sne.s32 s8, $0x10  }
.Ltmp3:
0x42: {  	_ = 	snop;
	(pc) =	sbr.rel @!p0 .LBB2_7-.Ltmp3, $3  }
0x43: {  	_ =	sdelay $0x1  }
0x44: {  	s20 =	sadd.s32 $0x200, s20  }
0x45: {  	s18 =	sadd.s32 $0x200, s18;
	s19 =	sadd.s32 $0x200, s19;
	s7 =	sadd.s32 $0x200, s7  }
.LBB2_2:
0x46: {  	(v2sf) =	vpush v15, $0x0;
	_ =	sdelay $0xe  }
0x47: {  	s1 =	spop (v2sf)  }
0x48: {  	p0 =	sgt.s32 s1, $0x1F  }
.Ltmp4:
0x49: {  	_ = 	snop;
	(pc) =	sbr.rel @p0 .LBB2_6-.Ltmp4, $1  }
0x4a: {  	_ =	sdelay $0x3  }
0x4b: {  	v14 =	vld [tilespmem:s7+$0xFFFFFFF0]  }
0x4c: {  	v16 =	vld [tilespmem:s19+$0x10]  }
0x4d: {  	v17 =	vld [tilespmem:s7+$0x10]  }
0x4e: {  	v18 =	vld [tilespmem:s18+$0x10]  }
0x4f: {  	v19 =	vld [tilespmem:s19+$0xFFFFFFF0]  }
0x50: {  	v20 =	vld [tilespmem:s7+$0xFFFFFFE0]  }
0x51: {  	v21 =	vld [tilespmem:s7+$0x0]  }
0x52: {  	v22 =	vld [tilespmem:s18+$0x0]  }
0x53: {  	v23 =	vld [tilespmem:s18+$0xFFFFFFF0]  }
0x54: {  	v25 =	vld [tilespmem:s18+$0xFFFFFFE0];
	v24 =	vsub.f32 v14, v11;
	v16 =	vsub.f32 v16, v12  }
0x55: {  	v26 =	vld [tilespmem:s19+$0xFFFFFFE0];
	v17 =	vsub.f32 v17, v11;
	v18 =	vsub.f32 v18, v10  }
0x56: {  	v19 =	vsub.f32 v19, v12;
	v20 =	vsub.f32 v20, v11  }
0x57: {  	v21 =	vsub.f32 v21, v11;
	v22 =	vsub.f32 v22, v10;
	v24 =	vmul.f32 v24, v24  }
0x58: {  	v27 =	vld [tilespmem:s19+$0x0];
	v23 =	vsub.f32 v23, v10;
	v17 =	vmul.f32 v17, v17;
	v18 =	vmul.f32 v18, v18  }
0x59: {  	s13 =	sadd.s32 $0x40, s7;
	v25 =	vsub.f32 v25, v10;
	v21 =	vmul.f32 v21, v21;
	v22 =	vmul.f32 v22, v22  }
0x5a: {  	s12 =	sadd.s32 $0x40, s19;
	v28 =	vld [tilespmem:s13+$0xFFFFFFF0];
	v26 =	vsub.f32 v26, v12;
	v20 =	vmul.f32 v20, v20;
	v23 =	vmul.f32 v23, v23  }
0x5b: {  	s11 =	sadd.s32 $0x40, s18;
	v29 =	vld [tilespmem:s12+$0x10];
	v16 =	vmul.f32 v16, v16;
	v21 =	vadd.f32 v21, v22;
	v22 =	vmul.f32 v25, v25  }
0x5c: {  	v19 =	vmul.f32 v19, v19;
	v17 =	vadd.f32 v17, v18;
	v23 =	vadd.f32 v24, v23;
	v24 =	vld [tilespmem:s11+$0x10]  }
0x5d: {  	v26 =	vmul.f32 v26, v26;
	v18 =	vld [tilespmem:s13+$0x10];
	v25 =	vsub.f32 v27, v12;
	v20 =	vadd.f32 v20, v22  }
0x5e: {  	s1 =	sadd.s32 $0xFFFFFFC0, s20;
	v27 =	vld [tilespmem:s12+$0xFFFFFFE0];
	v17 =	vadd.f32 v16, v17;
	v19 =	vadd.f32 v19, v23  }
0x5f: {  	s9 =	sadd.s32 $0x60, s1;
	v22 =	vld [tilespmem:s12+$0xFFFFFFF0];
	v25 =	vmul.f32 v25, v25;
	v26 =	vadd.f32 v26, v20;
	v20 =	vsub.f32 v28, v11  }
0x60: {  	v14 =	vor.u32 s9, v0;
	s9 =	sadd.s32 $0x0, s20;
	vm3 =	vlt.f32 v17, $3.999999910e-02;
	v17 =	vld [tilespmem:s13+$0xFFFFFFE0];
	vm4 =	vlt.f32 v19, $3.999999910e-02  }
0x61: {  	s10 =	sadd.s32 $0x60, s9;
	v19 =	vadd.f32 v25, v21;
	v32 =	vmul.f32 v20, v20;
	v20 =	vsub.f32 v24, v10;
	v24 =	vld [tilespmem:s11+$0x0]  }
0x62: {  	v16 =	vor.u32 s10, v0;
	v28 =	vsub.f32 v29, v12;
	v29 =	vld [tilespmem:s13+$0x0];
	v18 =	vsub.f32 v18, v11  }
0x63: {  	v31 =	vld [tilespmem:s11+$0xFFFFFFF0];
	v27 =	vsub.f32 v27, v12;
	v30 =	vsel vm3, $0x1, v3;
	vm1 =	vlt.f32 v19, $3.999999910e-02  }
0x64: {  	v25 =	vld [tilespmem:s11+$0xFFFFFFE0];
	vm2 =	vlt.f32 v26, $3.999999910e-02;
	v21 =	vsub.f32 v22, v12;
	v22 =	vmul.f32 v18, v18  }
0x65: {  	(xrf0) =	vadd.scan.msk.s32 $0xffff, v30;
	v18 =	vsel vm4, $0x1, v3;
	v35 =	vsel vm1, $0x1, v3;
	v17 =	vsub.f32 v17, v11  }
0x66: {  	v23 =	vmul.f32 v20, v20;
	(xrf0) =	vadd.scan.msk.s32 $0xffff, v18;
	v20 =	vmul.f32 v21, v21;
	v24 =	vsub.f32 v24, v10  }
0x67: {  	v18 =	vld [tilespmem:s12+$0x0];
	v21 =	vmul.f32 v27, v27;
	v19 =	vsub.f32 v29, v11;
	v26 =	vmul.f32 v17, v17  }
0x68: {  	v29 =	vsel vm2, $0x1, v3;
	v17 =	vmpcnt.ones.xlane vm2;
	v24 =	vmul.f32 v24, v24  }
0x69: {  	v30 =	vsub.f32 v25, v10;
	(xrf0) =	vadd.scan.msk.s32 $0xffff, v29;
	v33 =	vmul.f32 v19, v19;
	v19 =	vsub.f32 v31, v10  }
0x6a: {  	s21 =	sadd.s32 $0x50, s1;
	s14 =	sadd.s32 $0x40, s1;
	v25 =	vmpcnt.ones.xlane vm1;
	v31 =	vmul.f32 v28, v28;
	v27 =	vadd.s32 v15, v17  }
0x6b: {  	s1 =	sadd.s32 $0x70, s1;
	v28, _, _ =	vpop (xrf0);
	(xrf0) =	vadd.scan.msk.s32 $0xffff, v35;
	v17 =	vor.u32 s21, v0;
	v36 =	vmul.f32 v19, v19;
	v19 =	vor.u32 s14, v0  }
0x6c: {  	s10 =	simm.s32 $0x40;
	v34 =	vsub.f32 v18, v12;
	v18 =	vor.u32 s1, v0;
	v29 =	vadd.f32 v33, v24;
	v24, _, _ =	vpop (xrf0)  }
0x6d: {  	s13 =	sadd.s32 $0x40, s13;
	s11 =	sadd.s32 $0x40, s11;
	s12 =	sadd.s32 $0x40, s12;
	v32 =	vadd.f32 v32, v36;
	v33 =	vmpcnt.ones.xlane vm4;
	v24 =	vadd.s32 v24, v27  }
.LBB2_4:
0x6e: {  	v38 =	vmul.f32 v30, v30;
	v34 =	vmul.f32 v34, v34  }
0x6f: {  	s1 =	sadd.s32 s10, s20;
	v35 =	vld [tilespmem:s13+$0xFFFFFFF0];
	s10 =	sadd.s32 $0x40, s10;
	v22 =	vadd.f32 v22, v23;
	v23, _, _ =	vpop (xrf0);
	vm6 =	vmmov vm3;
	vm5 =	vmmov vm4  }
0x70: {  	s14 =	sadd.s32 $0x60, s1;
	v36 =	vld [tilespmem:s12+$0x10];
	p0 =	slt.u32 s10, $0x1C0;
	v15 =	vadd.s32 v23, v15;
	v23 =	vadd.s32 v27, v33;
	v27 =	vmpcnt.ones.xlane vm6  }
0x71: {  	v33 =	vor.u32 s14, v0;
	v37 =	vld [tilespmem:s13+$0x10];
	v26 =	vadd.f32 v26, v38;
	v22 =	vadd.f32 v31, v22;
	v30, _, _ =	vpop (xrf0)  }
0x72: {  	v38 =	vadd.s32 $0xFFFFFFFF, v15;
	v31 =	vld [tilespmem:s11+$0x10];
	v15 =	vadd.s32 v30, v23;
	v23 =	vadd.s32 v23, v25  }
0x73: {  	v25 =	vld [tilespmem:s12+$0xFFFFFFF0];
	v26 =	vadd.f32 v21, v26;
	v21 =	vadd.s32 $0xFFFFFFFF, v15;
	v15 =	vadd.s32 v28, v23  }
0x74: {  	v20 =	vadd.f32 v20, v32;
	vm3 =	vlt.f32 v22, $3.999999910e-02;
	v28 =	vld [tilespmem:s12+$0xFFFFFFE0];
	v30 =	vadd.s32 $0xFFFFFFFF, v15  }
0x75: {  	v22 =	vsub.f32 v35, v11;
	v15 =	vadd.s32 v23, v27;
	v32 =	vld [tilespmem:s13+$0xFFFFFFE0];
	v35 =	vsub.f32 v36, v12  }
0x76: {  	v29 =	vadd.f32 v34, v29;
	vm4 =	vlt.f32 v20, $3.999999910e-02;
	v27 =	vld [tilespmem:s13+$0x0];
	v23 =	vsub.f32 v37, v11  }
0x77: {  	v36 =	vmul.f32 v22, v22;
	v34 =	vld [tilespmem:s11+$0xFFFFFFE0];
	v20 =	vsub.f32 v31, v10;
	[tilespmem:v38+s22+$0x0] =	vst.idx.msk vm2, v19;
	v19 =	vadd.s32 $0xFFFFFFFF, v24  }
0x78: {  	v31 =	vsel vm4, $0x1, v3;
	v24 =	vsub.f32 v25, v12;
	v25 =	vld [tilespmem:s11+$0x0];
	v22 =	vmul.f32 v23, v23;
	[tilespmem:v21+s22+$0x0] =	vst.idx.msk vm1, v14  }
0x79: {  	v37 =	vsel vm3, $0x1, v3;
	v21 =	vsub.f32 v28, v12;
	v28 =	vld [tilespmem:s11+$0xFFFFFFF0];
	v23 =	vmul.f32 v20, v20;
	[tilespmem:v30+s22+$0x0] =	vst.idx.msk vm6, v18  }
0x7a: {  	vm1 =	vlt.f32 v29, $3.999999910e-02;
	v14 =	vmovc v16;
	v18 =	vsub.f32 v32, v11;
	v20 =	vmul.f32 v24, v24;
	(xrf0) =	vadd.scan.msk.s32 $0xffff, v37  }
0x7b: {  	vm2 =	vlt.f32 v26, $3.999999910e-02;
	v16 =	vmovc v33;
	v21 =	vmul.f32 v21, v21;
	v24 =	vsub.f32 v27, v11;
	(xrf0) =	vadd.scan.msk.s32 $0xffff, v31  }
0x7c: {  	v29 =	vmpcnt.ones.xlane vm2;
	v27 =	vsel vm2, $0x1, v3;
	v26 =	vmul.f32 v18, v18;
	v18 =	vld [tilespmem:s12+$0x0];
	[tilespmem:v19+s22+$0x0] =	vst.idx.msk vm5, v17  }
0x7d: {  	v30 =	vsub.f32 v34, v10;
	v17 =	vsub.f32 v25, v10;
	v24 =	vmul.f32 v24, v24;
	(xrf0) =	vadd.scan.msk.s32 $0xffff, v27  }
.Ltmp5:
0x7e: {  	s14 =	sadd.s32 $0x50, s9;
	v33 =	vsel vm1, $0x1, v3;
	v27 =	vadd.s32 v15, v29;
	v19 =	vsub.f32 v28, v10;
	(pc) =	sbr.rel @p0 .LBB2_4-.Ltmp5, $4  }
0x7f: {  	s16 =	sadd.s32 $0x40, s9;
	v25 =	vmpcnt.ones.xlane vm1;
	v29 =	vmul.f32 v17, v17;
	v17 =	vor.u32 s14, v0;
	(xrf0) =	vadd.scan.msk.s32 $0xffff, v33  }
0x80: {  	v31 =	vmul.f32 v35, v35;
	s14 =	sadd.s32 $0x70, s9;
	s9 =	smov.u32 s1;
	v32 =	vmul.f32 v19, v19;
	v19 =	vor.u32 s16, v0;
	v28, _, _ =	vpop (xrf0)  }
0x81: {  	v29 =	vadd.f32 v24, v29;
	v34 =	vsub.f32 v18, v12;
	v18 =	vor.u32 s14, v0;
	v24, _, _ =	vpop (xrf0)  }
0x82: {  	s13 =	sadd.s32 $0x40, s13;
	s11 =	sadd.s32 $0x40, s11;
	s12 =	sadd.s32 $0x40, s12;
	v33 =	vmpcnt.ones.xlane vm4;
	v32 =	vadd.f32 v36, v32;
	v24 =	vadd.s32 v24, v27  }
0x83: {  	v30 =	vmul.f32 v30, v30;
	v22 =	vadd.f32 v22, v23;
	_ =	sdelay $0x1  }
0x84: {  	v44 =	vadd.f32 v26, v30;
	v22 =	vadd.f32 v31, v22  }
0x85: {  	v45 =	vmul.f32 v34, v34;
	v20 =	vadd.f32 v20, v32  }
0x86: {  	v21 =	vadd.f32 v21, v44;
	vm8 =	vlt.f32 v22, $3.999999910e-02  }
0x87: {  	v46 =	vadd.f32 v45, v29;
	vm7 =	vlt.f32 v20, $3.999999910e-02;
	v22 =	vsel vm8, $0x1, v3  }
0x88: {  	v47 =	vsel vm7, $0x1, v3;
	(xrf0) =	vadd.scan.msk.s32 $0xffff, v22;
	vm6 =	vlt.f32 v21, $3.999999910e-02  }
0x89: {  	vm5 =	vlt.f32 v46, $3.999999910e-02;
	(xrf0) =	vadd.scan.msk.s32 $0xffff, v47;
	v48 =	vsel vm6, $0x1, v3  }
0x8a: {  	v49 =	vsel vm5, $0x1, v3;
	(xrf0) =	vadd.scan.msk.s32 $0xffff, v48  }
0x8b: {  	v50, _, _ =	vpop (xrf0);
	vm3 =	vmmov vm3;
	(xrf0) =	vadd.scan.msk.s32 $0xffff, v49  }
0x8c: {  	vm4 =	vmmov vm4;
	v15 =	vadd.s32 v50, v15;
	v52 =	vadd.s32 v27, v33;
	v51, _, _ =	vpop (xrf0)  }
0x8d: {  	v53 =	vmpcnt.ones.xlane vm3;
	v15 =	vadd.s32 $0xFFFFFFFF, v15;
	v20 =	vadd.s32 v51, v52  }
0x8e: {  	v20 =	vadd.s32 $0xFFFFFFFF, v20;
	v21 =	vadd.s32 v52, v25;
	v54 =	vmpcnt.ones.xlane vm6;
	v55, _, _ =	vpop (xrf0)  }
0x8f: {  	v58 =	vmpcnt.ones.xlane vm7;
	v56 =	vadd.s32 v28, v21;
	v21 =	vadd.s32 v21, v53;
	v57, _, _ =	vpop (xrf0)  }
0x90: {  	v24 =	vadd.s32 $0xFFFFFFFF, v24;
	v59 =	vmpcnt.ones.xlane vm5;
	v23 =	vadd.s32 v21, v54;
	v60, _, _ =	vpop (xrf0)  }
0x91: {  	v26 =	vadd.s32 $0xFFFFFFFF, v56;
	v27 =	vadd.s32 v23, v58;
	v21 =	vadd.s32 v60, v21;
	v61, _, _ =	vpop (xrf0)  }
0x92: {  	v21 =	vadd.s32 $0xFFFFFFFF, v21;
	v29 =	vadd.s32 v61, v27;
	v27 =	vadd.s32 v27, v59  }
0x93: {  	[tilespmem:v15+s22+$0x0] =	vst.idx.msk vm2, v19;
	v15 =	vadd.s32 $0xFFFFFFFF, v29;
	v62 =	vadd.s32 v55, v27  }
0x94: {  	[tilespmem:v20+s22+$0x0] =	vst.idx.msk vm1, v14;
	v14 =	vadd.s32 v57, v23;
	v19 =	vadd.s32 $0xFFFFFFFF, v62  }
0x95: {  	s1 =	sadd.s32 $0x40, s9;
	[tilespmem:v24+s22+$0x0] =	vst.idx.msk vm4, v17;
	v14 =	vadd.s32 $0xFFFFFFFF, v14  }
.Ltmp6:
0x96: {  	v17 =	vor.u32 s1, v0;
	[tilespmem:v26+s22+$0x0] =	vst.idx.msk vm3, v18;
	(pc) =	sbr.rel .LBB2_6-.Ltmp6, $4  }
0x97: {  	s17 =	sadd.s32 $0x70, s9;
	vm2 =	vmmov vm8;
	[tilespmem:v21+s22+$0x0] =	vst.idx.msk vm6, v17  }
0x98: {  	s21 =	sadd.s32 $0x50, s9;
	v63 =	vmpcnt.ones.xlane vm2;
	v17 =	vor.u32 s17, v0;
	[tilespmem:v15+s22+$0x0] =	vst.idx.msk vm5, v16  }
0x99: {  	v16 =	vor.u32 s21, v0;
	[tilespmem:v19+s22+$0x0] =	vst.idx.msk vm8, v17  }
0x9a: {  	vm1 =	vmmov vm7;
	v15 =	vadd.s32 v27, v63;
	[tilespmem:v14+s22+$0x0] =	vst.idx.msk vm7, v16  }
.LBB2_7:
0x9b: {  	(v2sf) =	vpush v13, $0x0;
	_ =	sdelay $0x7  }
0x9c: {  	v10 =	vld [tilespmem:$0x6600];
	_ =	sdelay $0x2  }
0x9d: {  	v11 =	vld [tilespmem:$0x6610]  }
0x9e: {  	v12 =	vbroadcast v15, $0x0  }
0x9f: {  	v62 =	vbroadcast v10, $0x0  }
0xa0: {  	vm1 =	vgt.s32 v12, v0  }
0xa1: {  	v10 =	vsel vm1, v10, v62;
	vm1 =	vgt.s32 v12, v4;
	s1 =	spop (v2sf)  }
.Ltmp7:
0xa2: {  	v11 =	vsel vm1, v11, v62;
	s1 =	sadd.s32 s3, s1;
	(pc) =	sbr.rel .LBB2_8-.Ltmp7, $4  }
0xa3: {  	v11 =	vadd.s32 v2, v11;
	v14 =	vmov s1  }
0xa4: {  	[tilespmem:$0x6A91] =	vst v11;
	v63 =	vnsel vm0, $0x0, v14  }
0xa5: {  	v10 =	vadd.s32 v2, v10;
	[tilespmem:$0x6A80] =	vst v63  }
0xa6: {  	s18 =	simm.s32 $0x0;
	[tilespmem:$0x6A81] =	vst v10  }
.LBB2_20:
0xa7: {  	(v2sf) =	vpush v16, $0x0;
	_ =	sdelay $0x7  }
0xa8: {  	v57 =	vld [tilespmem:$0x6600];
	_ =	sdelay $0x2  }
0xa9: {  	v17 =	vld [tilespmem:$0x6610]  }
0xaa: {  	v18 =	vbroadcast v20, $0x0  }
0xab: {  	v19 =	vbroadcast v57, $0x0  }
0xac: {  	vm1 =	vgt.s32 v18, v0  }
0xad: {  	v16 =	vsel vm1, v57, v19;
	vm1 =	vgt.s32 v18, v4;
	s1 =	spop (v2sf)  }
0xae: {  	v17 =	vsel vm1, v17, v19;
	s1 =	sadd.s32 s3, s1  }
0xaf: {  	v17 =	vadd.s32 v2, v17;
	v58 =	vmov s1  }
0xb0: {  	[tilespmem:$0x6A91] =	vst v17;
	v59 =	vnsel vm0, $0x0, v58  }
0xb1: {  	v16 =	vadd.s32 v2, v16;
	[tilespmem:$0x6A80] =	vst v59  }
0xb2: {  	[tilespmem:$0x6A81] =	vst v16  }
0xb3: {  	_ =	swait.ge [sflag:s31], $0x1080  }
0xb4: {  	[sflag:s31] =	ssyncset.done $0x0  }
0xb5: {  	[sflag:s31] =	ssyncadd.s32 $0xFFFFEF80  }
0xb6: {  	v60 =	vld.msk [tilespmem:s19+$0x6000 ss:$0x0], $0xffff  }
0xb7: {  	v61 =	vld.idx.msk [tilespmem:v5+s28+$0x0], $0xffff;
	_ =	sdelay $0x4  }
0xb8: {  	v17 =	vsub.f32 v61, v60  }
0xb9: {  	v62 =	vld.msk [tilespmem:s19+$0x6180 ss:$0x0], $0xffff  }
0xba: {  	v63 =	vld.msk [tilespmem:s19+$0x6300 ss:$0x0], $0xffff;
	[tilespmem:v5+s28+$0x0] =	vst.idx.msk $0xffff, v17  }
0xbb: {  	v17 =	vld.idx.msk [tilespmem:v6+s28+$0x0], $0xffff;
	_ =	sdelay $0x4  }
0xbc: {  	v17 =	vsub.f32 v17, v62;
	_ =	sdelay $0x1  }
0xbd: {  	[tilespmem:v6+s28+$0x0] =	vst.idx.msk $0xffff, v17  }
0xbe: {  	v17 =	vld.idx.msk [tilespmem:v10+s28+$0x0], $0xffff;
	_ =	sdelay $0x4  }
0xbf: {  	v17 =	vsub.f32 v17, v63;
	_ =	sdelay $0x1  }
0xc0: {  	[tilespmem:v10+s28+$0x0] =	vst.idx.msk $0xffff, v17  }
0xc1: {  	v10 =	vld.idx.msk [tilespmem:v11+s28+$0x0], $0xffff;
	_ =	sdelay $0x4  }
0xc2: {  	v10 =	vsub.f32 v10, v60;
	_ =	sdelay $0x1  }
0xc3: {  	[tilespmem:v11+s28+$0x0] =	vst.idx.msk $0xffff, v10  }
0xc4: {  	v10 =	vld.idx.msk [tilespmem:v12+s28+$0x0], $0xffff;
	_ =	sdelay $0x4  }
0xc5: {  	v10 =	vsub.f32 v10, v62;
	_ =	sdelay $0x1  }
0xc6: {  	[tilespmem:v12+s28+$0x0] =	vst.idx.msk $0xffff, v10  }
0xc7: {  	v10 =	vld.idx.msk [tilespmem:v13+s28+$0x0], $0xffff;
	_ =	sdelay $0x4  }
0xc8: {  	v10 =	vsub.f32 v10, v63;
	_ =	sdelay $0x1  }
0xc9: {  	[tilespmem:v13+s28+$0x0] =	vst.idx.msk $0xffff, v10  }
0xca: {  	v10 =	vld.idx.msk [tilespmem:v7+s28+$0x0], $0x1;
	_ =	sdelay $0x4  }
0xcb: {  	v10 =	vsub.f32 v10, v60;
	_ =	sdelay $0x1  }
0xcc: {  	[tilespmem:v7+s28+$0x0] =	vst.idx.msk $0x1, v10  }
0xcd: {  	v10 =	vld.idx.msk [tilespmem:v8+s28+$0x0], $0x1;
	_ =	sdelay $0x4  }
0xce: {  	v10 =	vsub.f32 v10, v62;
	_ =	sdelay $0x1  }
0xcf: {  	[tilespmem:v8+s28+$0x0] =	vst.idx.msk $0x1, v10  }
0xd0: {  	v10 =	vld.idx.msk [tilespmem:v9+s28+$0x0], $0x1;
	_ =	sdelay $0x3  }
0xd1: {  	s21 =	sadd.s32 s4, s19  }
0xd2: {  	s18 =	sadd.s32 $0x1, s18;
	s1 =	smul.u32 $0x21, s21;
	v10 =	vsub.f32 v10, v63  }
0xd3: {  	p0 =	sne.s32 s18, $0x80  }
.Ltmp8:
0xd4: {  	[tilespmem:v9+s28+$0x0] =	vst.idx.msk $0x1, v10;
	v10 =	vadd.s32 s1, v0;
	(pc) =	sbr.rel @!p0 .LBB2_21-.Ltmp8, $4  }
0xd5: {  	[tilespmem:$0x6C00] =	vst v10;
	v10 =	vadd.s32 s1, v14  }
0xd6: {  	[tilespmem:$0x6C01] =	vst v10;
	v10 =	vadd.s32 s1, v15  }
0xd7: {  	[tilespmem:$0x6C11] =	vst v10  }
0xd8: {  	[hbm4b:s6+s23] =	stream.indirect.scatter [tilespmem:s28], [sflag:$0x4], $0x80, s0, s23, $0xb8;
	[tilespmem:$0x9480] =	vst v63  }
.LBB2_8:
0xd9: {  	p0 =	seq.s32 s18, $0x0  }
0xda: {  	s1 =	simm.s32 @!p0 $0x3  }
0xdb: {  	_ =	swait.ge @!p0 [sflag:s1], $0x1080  }
0xdc: {  	[sflag:s1] =	ssyncset.done @!p0 $0x0  }
0xdd: {  	[sflag:s1] =	ssyncadd.s32 @!p0 $0xFFFFEF80  }
0xde: {  	[tilespmem:s25], [sflag:$0x1] =	stream.indirect.gather [hbm4b:s5+s23], $0x80, s24, s23, $0xb8;
	[tilespmem:$0x9480] =	vst v63  }
.Ltmp9:
0xdf: {  	s19 =	sshllo.u32 s18, $0x1;
	(pc) =	sbr.rel .LBB2_9-.Ltmp9, $4  }
0xe0: {  	v10 =	vld [tilespmem:s19+$0x6480]  }
0xe1: {  	v11 =	vld.msk [tilespmem:s19+$0x6000 ss:$0x0], $0xffff  }
0xe2: {  	s20 =	sshll.u32 s18, $0x1;
	v14 =	vimm.s32 $0x0;
	s21 =	simm.s32 $0x20;
	s7 =	simm.s32 $0x4020;
	v12 =	vld.msk [tilespmem:s19+$0x6180 ss:$0x0], $0xffff  }
0xe3: {  	s8 =	simm.s32 $0x2020;
	s9 =	simm.s32 $0x0;
	s10 =	simm.s32 $0x0;
	v13 =	vld.msk [tilespmem:s19+$0x6300 ss:$0x0], $0xffff;
	[tilespmem:$0x6600] =	vst v14  }
.LBB2_12:
0xe4: {  	v30 =	vmul.f32 v30, v30;
	v22 =	vadd.f32 v22, v23;
	_ =	sdelay $0x1  }
0xe5: {  	v41 =	vadd.f32 v26, v30;
	v22 =	vadd.f32 v31, v22  }
0xe6: {  	v42 =	vmul.f32 v34, v34;
	v20 =	vadd.f32 v20, v32  }
0xe7: {  	v21 =	vadd.f32 v21, v41;
	vm8 =	vlt.f32 v22, $3.999999910e-02  }
0xe8: {  	vm7 =	vlt.f32 v20, $3.999999910e-02;
	v43 =	vadd.f32 v42, v29;
	v22 =	vsel vm8, $0x1, v3  }
0xe9: {  	v47, _, _ =	vpop (xrf0);
	v44 =	vsel vm7, $0x1, v3;
	(xrf0) =	vadd.scan.msk.s32 $0xffff, v22;
	vm6 =	vlt.f32 v21, $3.999999910e-02  }
0xea: {  	v49 =	vadd.s32 v27, v33;
	v48, _, _ =	vpop (xrf0);
	vm5 =	vlt.f32 v43, $3.999999910e-02;
	(xrf0) =	vadd.scan.msk.s32 $0xffff, v44;
	v45 =	vsel vm6, $0x1, v3  }
0xeb: {  	v20 =	vadd.s32 v48, v49;
	v46 =	vsel vm5, $0x1, v3;
	(xrf0) =	vadd.scan.msk.s32 $0xffff, v45  }
0xec: {  	vm3 =	vmmov vm3;
	v20 =	vadd.s32 $0xFFFFFFFF, v20;
	(xrf0) =	vadd.scan.msk.s32 $0xffff, v46  }
0xed: {  	vm4 =	vmmov vm4;
	v50 =	vmpcnt.ones.xlane vm3  }
0xee: {  	v14 =	vadd.s32 v47, v14;
	v21 =	vadd.s32 v49, v25;
	v51 =	vmpcnt.ones.xlane vm6  }
0xef: {  	v14 =	vadd.s32 $0xFFFFFFFF, v14;
	v53 =	vadd.s32 v28, v21;
	v21 =	vadd.s32 v21, v50;
	v52, _, _ =	vpop (xrf0)  }
0xf0: {  	v24 =	vadd.s32 $0xFFFFFFFF, v24;
	v55 =	vmpcnt.ones.xlane vm7;
	v23 =	vadd.s32 v21, v51;
	v54, _, _ =	vpop (xrf0)  }
0xf1: {  	v56 =	vmpcnt.ones.xlane vm5;
	v26 =	vadd.s32 $0xFFFFFFFF, v53;
	[tilespmem:v20+s22+$0x0] =	vst.idx.msk vm1, v15;
	v57, _, _ =	vpop (xrf0);
	v15 =	vadd.s32 v54, v23  }
0xf2: {  	v27 =	vadd.s32 v23, v55;
	v21 =	vadd.s32 v57, v21;
	v58, _, _ =	vpop (xrf0);
	v15 =	vadd.s32 $0xFFFFFFFF, v15  }
0xf3: {  	v21 =	vadd.s32 $0xFFFFFFFF, v21;
	v29 =	vadd.s32 v58, v27;
	v27 =	vadd.s32 v27, v56  }
0xf4: {  	[tilespmem:v14+s22+$0x0] =	vst.idx.msk vm2, v19;
	v14 =	vadd.s32 $0xFFFFFFFF, v29;
	v59 =	vadd.s32 v52, v27  }
0xf5: {  	s2 =	sadd.s32 $0x50, s11;
	[tilespmem:v24+s22+$0x0] =	vst.idx.msk vm4, v17;
	v19 =	vadd.s32 $0xFFFFFFFF, v59  }
0xf6: {  	s1 =	sadd.s32 $0x40, s11;
	v63 =	vor.u32 s2, v0;
	[tilespmem:v26+s22+$0x0] =	vst.idx.msk vm3, v18  }
0xf7: {  	v60 =	vor.u32 s1, v0;
	vm2 =	vmmov vm8;
	[tilespmem:v15+s22+$0x0] =	vst.idx.msk vm7, v63  }
0xf8: {  	s17 =	sadd.s32 $0x70, s11;
	v62 =	vmpcnt.ones.xlane vm2;
	[tilespmem:v21+s22+$0x0] =	vst.idx.msk vm6, v60  }
0xf9: {  	v61 =	vor.u32 s17, v0;
	[tilespmem:v14+s22+$0x0] =	vst.idx.msk vm5, v16  }
0xfa: {  	vm1 =	vmmov vm7;
	v14 =	vadd.s32 v27, v62;
	[tilespmem:v19+s22+$0x0] =	vst.idx.msk vm8, v61  }
.LBB2_13:
0xfb: {  	s10 =	sadd.s32 $0x1, s10  }
0xfc: {  	p1 =	sne.s32 s10, $0x10  }
.Ltmp10:
0xfd: {  	_ = 	snop;
	(pc) =	sbr.rel @!p1 .LBB2_14-.Ltmp10, $3  }
0xfe: {  	_ =	sdelay $0x1  }
0xff: {  	s9 =	sadd.s32 $0x200, s9  }
0x100: {  	s21 =	sadd.s32 $0x200, s21;
	s7 =	sadd.s32 $0x200, s7;
	s8 =	sadd.s32 $0x200, s8  }
.LBB2_9:
0x101: {  	(v2sf) =	vpush v14, $0x0;
	_ =	sdelay $0xe  }
0x102: {  	s1 =	spop (v2sf)  }
0x103: {  	p1 =	sgt.s32 s1, $0x1F  }
.Ltmp11:
0x104: {  	_ = 	snop;
	(pc) =	sbr.rel @p1 .LBB2_13-.Ltmp11, $1  }
0x105: {  	_ =	sdelay $0x3  }
0x106: {  	v15 =	vld [tilespmem:s8+$0xFFFFFFF0]  }
0x107: {  	v16 =	vld [tilespmem:s7+$0x10]  }
0x108: {  	v17 =	vld [tilespmem:s8+$0x10]  }
0x109: {  	v18 =	vld [tilespmem:s21+$0x10]  }
0x10a: {  	v19 =	vld [tilespmem:s7+$0xFFFFFFF0]  }
0x10b: {  	v20 =	vld [tilespmem:s8+$0xFFFFFFE0]  }
0x10c: {  	v21 =	vld [tilespmem:s8+$0x0]  }
0x10d: {  	v22 =	vld [tilespmem:s21+$0x0]  }
0x10e: {  	v23 =	vld [tilespmem:s21+$0xFFFFFFF0]  }
0x10f: {  	v25 =	vld [tilespmem:s21+$0xFFFFFFE0];
	v24 =	vsub.f32 v15, v12;
	v16 =	vsub.f32 v16, v13  }
0x110: {  	v26 =	vld [tilespmem:s7+$0xFFFFFFE0];
	v17 =	vsub.f32 v17, v12;
	v18 =	vsub.f32 v18, v11  }
0x111: {  	v19 =	vsub.f32 v19, v13;
	v20 =	vsub.f32 v20, v12  }
0x112: {  	v21 =	vsub.f32 v21, v12;
	v22 =	vsub.f32 v22, v11;
	v24 =	vmul.f32 v24, v24  }
0x113: {  	v27 =	vld [tilespmem:s7+$0x0];
	v23 =	vsub.f32 v23, v11;
	v17 =	vmul.f32 v17, v17;
	v18 =	vmul.f32 v18, v18  }
0x114: {  	s16 =	sadd.s32 $0x40, s8;
	v25 =	vsub.f32 v25, v11;
	v21 =	vmul.f32 v21, v21;
	v22 =	vmul.f32 v22, v22  }
0x115: {  	s14 =	sadd.s32 $0x40, s7;
	v28 =	vld [tilespmem:s16+$0xFFFFFFF0];
	v26 =	vsub.f32 v26, v13;
	v20 =	vmul.f32 v20, v20;
	v23 =	vmul.f32 v23, v23  }
0x116: {  	s13 =	sadd.s32 $0x40, s21;
	v29 =	vld [tilespmem:s14+$0x10];
	v16 =	vmul.f32 v16, v16;
	v21 =	vadd.f32 v21, v22;
	v22 =	vmul.f32 v25, v25  }
0x117: {  	v19 =	vmul.f32 v19, v19;
	v17 =	vadd.f32 v17, v18;
	v23 =	vadd.f32 v24, v23;
	v24 =	vld [tilespmem:s13+$0x10]  }
0x118: {  	v26 =	vmul.f32 v26, v26;
	v18 =	vld [tilespmem:s16+$0x10];
	v25 =	vsub.f32 v27, v13;
	v20 =	vadd.f32 v20, v22  }
0x119: {  	s1 =	sadd.s32 $0xFFFFFFC0, s9;
	v27 =	vld [tilespmem:s14+$0xFFFFFFE0];
	v17 =	vadd.f32 v16, v17;
	v19 =	vadd.f32 v19, v23  }
0x11a: {  	s11 =	sadd.s32 $0x60, s1;
	v22 =	vld [tilespmem:s14+$0xFFFFFFF0];
	v25 =	vmul.f32 v25, v25;
	v26 =	vadd.f32 v26, v20;
	v20 =	vsub.f32 v28, v12  }
0x11b: {  	v15 =	vor.u32 s11, v0;
	s11 =	sadd.s32 $0x0, s9;
	vm3 =	vlt.f32 v17, $3.999999910e-02;
	v17 =	vld [tilespmem:s16+$0xFFFFFFE0];
	vm4 =	vlt.f32 v19, $3.999999910e-02  }
0x11c: {  	s12 =	sadd.s32 $0x60, s11;
	v19 =	vadd.f32 v25, v21;
	v32 =	vmul.f32 v20, v20;
	v20 =	vsub.f32 v24, v11;
	v24 =	vld [tilespmem:s13+$0x0]  }
0x11d: {  	v16 =	vor.u32 s12, v0;
	v28 =	vsub.f32 v29, v13;
	v29 =	vld [tilespmem:s16+$0x0];
	v18 =	vsub.f32 v18, v12  }
0x11e: {  	v31 =	vld [tilespmem:s13+$0xFFFFFFF0];
	v27 =	vsub.f32 v27, v13;
	v30 =	vsel vm3, $0x1, v3;
	vm1 =	vlt.f32 v19, $3.999999910e-02  }
0x11f: {  	v25 =	vld [tilespmem:s13+$0xFFFFFFE0];
	vm2 =	vlt.f32 v26, $3.999999910e-02;
	v21 =	vsub.f32 v22, v13;
	v22 =	vmul.f32 v18, v18  }
0x120: {  	(xrf0) =	vadd.scan.msk.s32 $0xffff, v30;
	v18 =	vsel vm4, $0x1, v3;
	v35 =	vsel vm1, $0x1, v3;
	v17 =	vsub.f32 v17, v12  }
0x121: {  	v23 =	vmul.f32 v20, v20;
	(xrf0) =	vadd.scan.msk.s32 $0xffff, v18;
	v20 =	vmul.f32 v21, v21;
	v24 =	vsub.f32 v24, v11  }
0x122: {  	v18 =	vld [tilespmem:s14+$0x0];
	v21 =	vmul.f32 v27, v27;
	v19 =	vsub.f32 v29, v12;
	v26 =	vmul.f32 v17, v17  }
0x123: {  	v29 =	vsel vm2, $0x1, v3;
	v17 =	vmpcnt.ones.xlane vm2;
	v24 =	vmul.f32 v24, v24  }
0x124: {  	v30 =	vsub.f32 v25, v11;
	(xrf0) =	vadd.scan.msk.s32 $0xffff, v29;
	v33 =	vmul.f32 v19, v19;
	v19 =	vsub.f32 v31, v11  }
0x125: {  	s17 =	sadd.s32 $0x50, s1;
	s2 =	sadd.s32 $0x40, s1;
	v25 =	vmpcnt.ones.xlane vm1;
	v31 =	vmul.f32 v28, v28;
	v27 =	vadd.s32 v14, v17  }
0x126: {  	s1 =	sadd.s32 $0x70, s1;
	v28, _, _ =	vpop (xrf0);
	(xrf0) =	vadd.scan.msk.s32 $0xffff, v35;
	v17 =	vor.u32 s17, v0;
	v36 =	vmul.f32 v19, v19;
	v19 =	vor.u32 s2, v0  }
0x127: {  	s12 =	simm.s32 $0x40;
	v34 =	vsub.f32 v18, v13;
	v18 =	vor.u32 s1, v0;
	v29 =	vadd.f32 v33, v24;
	v24, _, _ =	vpop (xrf0)  }
0x128: {  	s13 =	sadd.s32 $0x40, s13;
	s14 =	sadd.s32 $0x40, s14;
	s1 =	sadd.s32 $0x40, s16;
	v32 =	vadd.f32 v32, v36;
	v33 =	vmpcnt.ones.xlane vm4;
	v24 =	vadd.s32 v24, v27  }
.LBB2_11:
0x129: {  	v38 =	vmul.f32 v30, v30;
	v34 =	vmul.f32 v34, v34  }
0x12a: {  	s16 =	sadd.s32 s12, s9;
	v35 =	vld [tilespmem:s1+$0xFFFFFFF0];
	s12 =	sadd.s32 $0x40, s12;
	v22 =	vadd.f32 v22, v23;
	v23, _, _ =	vpop (xrf0);
	vm6 =	vmmov vm3;
	vm5 =	vmmov vm4  }
0x12b: {  	s2 =	sadd.s32 $0x60, s16;
	v36 =	vld [tilespmem:s14+$0x10];
	p1 =	slt.u32 s12, $0x1C0;
	v14 =	vadd.s32 v23, v14;
	v23 =	vadd.s32 v27, v33;
	v27 =	vmpcnt.ones.xlane vm6  }
0x12c: {  	v33 =	vor.u32 s2, v0;
	v37 =	vld [tilespmem:s1+$0x10];
	v26 =	vadd.f32 v26, v38;
	v22 =	vadd.f32 v31, v22;
	v30, _, _ =	vpop (xrf0)  }
0x12d: {  	v38 =	vadd.s32 $0xFFFFFFFF, v14;
	v31 =	vld [tilespmem:s13+$0x10];
	v14 =	vadd.s32 v30, v23;
	v23 =	vadd.s32 v23, v25  }
0x12e: {  	v25 =	vld [tilespmem:s14+$0xFFFFFFF0];
	v26 =	vadd.f32 v21, v26;
	v21 =	vadd.s32 $0xFFFFFFFF, v14;
	v14 =	vadd.s32 v28, v23  }
0x12f: {  	v20 =	vadd.f32 v20, v32;
	vm3 =	vlt.f32 v22, $3.999999910e-02;
	v28 =	vld [tilespmem:s14+$0xFFFFFFE0];
	v30 =	vadd.s32 $0xFFFFFFFF, v14  }
0x130: {  	v22 =	vsub.f32 v35, v12;
	v14 =	vadd.s32 v23, v27;
	v32 =	vld [tilespmem:s1+$0xFFFFFFE0];
	v35 =	vsub.f32 v36, v13  }
0x131: {  	vm4 =	vlt.f32 v20, $3.999999910e-02;
	v29 =	vadd.f32 v34, v29;
	v27 =	vld [tilespmem:s1+$0x0];
	v23 =	vsub.f32 v37, v12  }
0x132: {  	v36 =	vmul.f32 v22, v22;
	v34 =	vld [tilespmem:s13+$0xFFFFFFE0];
	v20 =	vsub.f32 v31, v11;
	[tilespmem:v38+s22+$0x0] =	vst.idx.msk vm2, v19;
	v19 =	vadd.s32 $0xFFFFFFFF, v24  }
0x133: {  	v31 =	vsel vm4, $0x1, v3;
	v24 =	vsub.f32 v25, v13;
	v25 =	vld [tilespmem:s13+$0x0];
	v22 =	vmul.f32 v23, v23;
	[tilespmem:v21+s22+$0x0] =	vst.idx.msk vm1, v15  }
0x134: {  	v37 =	vsel vm3, $0x1, v3;
	v21 =	vsub.f32 v28, v13;
	v28 =	vld [tilespmem:s13+$0xFFFFFFF0];
	v23 =	vmul.f32 v20, v20;
	[tilespmem:v30+s22+$0x0] =	vst.idx.msk vm6, v18  }
0x135: {  	vm1 =	vlt.f32 v29, $3.999999910e-02;
	v15 =	vmovc v16;
	v18 =	vsub.f32 v32, v12;
	v20 =	vmul.f32 v24, v24;
	(xrf0) =	vadd.scan.msk.s32 $0xffff, v37  }
0x136: {  	vm2 =	vlt.f32 v26, $3.999999910e-02;
	v16 =	vmovc v33;
	v21 =	vmul.f32 v21, v21;
	v24 =	vsub.f32 v27, v12;
	(xrf0) =	vadd.scan.msk.s32 $0xffff, v31  }
0x137: {  	v29 =	vmpcnt.ones.xlane vm2;
	v27 =	vsel vm2, $0x1, v3;
	v26 =	vmul.f32 v18, v18;
	v18 =	vld [tilespmem:s14+$0x0];
	[tilespmem:v19+s22+$0x0] =	vst.idx.msk vm5, v17  }
0x138: {  	v30 =	vsub.f32 v34, v11;
	v17 =	vsub.f32 v25, v11;
	v24 =	vmul.f32 v24, v24;
	(xrf0) =	vadd.scan.msk.s32 $0xffff, v27  }
.Ltmp12:
0x139: {  	s2 =	sadd.s32 $0x50, s11;
	v33 =	vsel vm1, $0x1, v3;
	v27 =	vadd.s32 v14, v29;
	v19 =	vsub.f32 v28, v11;
	(pc) =	sbr.rel @p1 .LBB2_11-.Ltmp12, $4  }
0x13a: {  	s17 =	sadd.s32 $0x40, s11;
	v25 =	vmpcnt.ones.xlane vm1;
	v29 =	vmul.f32 v17, v17;
	v17 =	vor.u32 s2, v0;
	(xrf0) =	vadd.scan.msk.s32 $0xffff, v33  }
0x13b: {  	v31 =	vmul.f32 v35, v35;
	s2 =	sadd.s32 $0x70, s11;
	s11 =	smov.u32 s16;
	v32 =	vmul.f32 v19, v19;
	v19 =	vor.u32 s17, v0;
	v28, _, _ =	vpop (xrf0)  }
0x13c: {  	v29 =	vadd.f32 v24, v29;
	v34 =	vsub.f32 v18, v13;
	v18 =	vor.u32 s2, v0;
	v24, _, _ =	vpop (xrf0)  }
0x13d: {  	s1 =	sadd.s32 $0x40, s1;
	s13 =	sadd.s32 $0x40, s13;
	s14 =	sadd.s32 $0x40, s14;
	v33 =	vmpcnt.ones.xlane vm4;
	v32 =	vadd.f32 v36, v32;
	v24 =	vadd.s32 v24, v27  }
.Ltmp13:
0x13e: {  	_ = 	snop;
	(pc) =	sbr.rel .LBB2_12-.Ltmp13, $1  }
0x13f: {  	_ =	sdelay $0x3  }
.LBB2_14:
0x140: {  	(v2sf) =	vpush v10, $0x0;
	_ =	sdelay $0x7  }
0x141: {  	v10 =	vld [tilespmem:$0x6600];
	_ =	sdelay $0x2  }
0x142: {  	v11 =	vld [tilespmem:$0x6610]  }
0x143: {  	v12 =	vbroadcast v14, $0x0  }
0x144: {  	v13 =	vbroadcast v10, $0x0  }
0x145: {  	vm1 =	vgt.s32 v12, v0  }
0x146: {  	v10 =	vsel vm1, v10, v13;
	vm1 =	vgt.s32 v12, v4;
	s1 =	spop (v2sf)  }
0x147: {  	v11 =	vsel vm1, v11, v13;
	s1 =	sadd.s32 s3, s1  }
0x148: {  	v11 =	vadd.s32 v2, v11;
	v14 =	vmov s1  }
0x149: {  	[tilespmem:$0x6B11] =	vst v11;
	v12 =	vnsel vm0, $0x0, v14  }
0x14a: {  	v10 =	vadd.s32 v2, v10;
	[tilespmem:$0x6B00] =	vst v12  }
0x14b: {  	s1 =	simm.s32 @!p0 $0x4;
	[tilespmem:$0x6B01] =	vst v10  }
0x14c: {  	_ =	swait.ge @!p0 [sflag:s1], $0x1080  }
0x14d: {  	[sflag:s1] =	ssyncset.done @!p0 $0x0  }
0x14e: {  	[sflag:s1] =	ssyncadd.s32 @!p0 $0xFFFFEF80  }
0x14f: {  	[tilespmem:s28], [sflag:$0x2] =	stream.indirect.gather [hbm4b:s5+s23], $0x80, s26, s23, $0xb8;
	[tilespmem:$0x9480] =	vst v63  }
0x150: {  	_ =	swait.ge [sflag:s29], $0x1080  }
0x151: {  	[sflag:s29] =	ssyncset.done $0x0  }
0x152: {  	[sflag:s29] =	ssyncadd.s32 $0xFFFFEF80  }
0x153: {  	v14 =	vld.msk [tilespmem:s20+$0x6000 ss:$0x0], $0xffff  }
0x154: {  	v10 =	vld.idx.msk [tilespmem:v5+s25+$0x0], $0xffff;
	_ =	sdelay $0x4  }
0x155: {  	v10 =	vsub.f32 v10, v14  }
0x156: {  	v15 =	vld.msk [tilespmem:s20+$0x6180 ss:$0x0], $0xffff  }
0x157: {  	v16 =	vld.msk [tilespmem:s20+$0x6300 ss:$0x0], $0xffff;
	[tilespmem:v5+s25+$0x0] =	vst.idx.msk $0xffff, v10  }
0x158: {  	v11 =	vld.idx.msk [tilespmem:v6+s25+$0x0], $0xffff;
	_ =	sdelay $0x2  }
0x159: {  	v10 =	vor.u32 $0x5, v1;
	_ =	sdelay $0x1  }
0x15a: {  	v11 =	vsub.f32 v11, v15;
	_ =	sdelay $0x1  }
0x15b: {  	[tilespmem:v6+s25+$0x0] =	vst.idx.msk $0xffff, v11  }
0x15c: {  	v12 =	vld.idx.msk [tilespmem:v10+s25+$0x0], $0xffff;
	_ =	sdelay $0x2  }
0x15d: {  	v11 =	vor.u32 $0x803, v1;
	_ =	sdelay $0x1  }
0x15e: {  	v12 =	vsub.f32 v12, v16;
	_ =	sdelay $0x1  }
0x15f: {  	[tilespmem:v10+s25+$0x0] =	vst.idx.msk $0xffff, v12  }
0x160: {  	v13 =	vld.idx.msk [tilespmem:v11+s25+$0x0], $0xffff;
	_ =	sdelay $0x2  }
0x161: {  	v12 =	vor.u32 $0x804, v1;
	_ =	sdelay $0x1  }
0x162: {  	v13 =	vsub.f32 v13, v14;
	_ =	sdelay $0x1  }
0x163: {  	[tilespmem:v11+s25+$0x0] =	vst.idx.msk $0xffff, v13  }
0x164: {  	v17 =	vld.idx.msk [tilespmem:v12+s25+$0x0], $0xffff;
	_ =	sdelay $0x2  }
0x165: {  	v13 =	vor.u32 $0x805, v1;
	_ =	sdelay $0x1  }
0x166: {  	v17 =	vsub.f32 v17, v15;
	_ =	sdelay $0x1  }
0x167: {  	[tilespmem:v12+s25+$0x0] =	vst.idx.msk $0xffff, v17  }
0x168: {  	v17 =	vld.idx.msk [tilespmem:v13+s25+$0x0], $0xffff;
	_ =	sdelay $0x4  }
0x169: {  	v17 =	vsub.f32 v17, v16;
	_ =	sdelay $0x1  }
0x16a: {  	[tilespmem:v13+s25+$0x0] =	vst.idx.msk $0xffff, v17  }
0x16b: {  	v17 =	vld.idx.msk [tilespmem:v7+s25+$0x0], $0x1;
	_ =	sdelay $0x4  }
0x16c: {  	v14 =	vsub.f32 v17, v14;
	_ =	sdelay $0x1  }
0x16d: {  	[tilespmem:v7+s25+$0x0] =	vst.idx.msk $0x1, v14  }
0x16e: {  	v14 =	vld.idx.msk [tilespmem:v8+s25+$0x0], $0x1;
	_ =	sdelay $0x4  }
0x16f: {  	v14 =	vsub.f32 v14, v15;
	_ =	sdelay $0x1  }
0x170: {  	[tilespmem:v8+s25+$0x0] =	vst.idx.msk $0x1, v14  }
0x171: {  	v14 =	vld.idx.msk [tilespmem:v9+s25+$0x0], $0x1;
	_ =	sdelay $0x3  }
0x172: {  	s17 =	sadd.s32 s4, s20  }
0x173: {  	s1 =	smul.u32 $0x21, s17;
	v14 =	vsub.f32 v14, v16;
	_ =	sdelay $0x1  }
0x174: {  	v15 =	vadd.s32 s1, v0;
	[tilespmem:v9+s25+$0x0] =	vst.idx.msk $0x1, v14;
	v14 =	vadd.s32 $0x1, v0  }
0x175: {  	[tilespmem:$0x6B80] =	vst v15;
	v16 =	vadd.s32 s1, v14;
	v15 =	vadd.s32 $0x11, v0  }
0x176: {  	[tilespmem:$0x6B81] =	vst v16;
	v16 =	vadd.s32 s1, v15  }
0x177: {  	s21 =	smin.u32 s20, $0xFD;
	[tilespmem:$0x6B91] =	vst v16  }
0x178: {  	[hbm4b:s6+s23] =	stream.indirect.scatter [tilespmem:s25], [sflag:$0x3], $0x80, s30, s23, $0xb8;
	[tilespmem:$0x9480] =	vst v63  }
.Ltmp14:
0x179: {  	v16 =	vld [tilespmem:s21+$0x6482];
	(pc) =	sbr.rel .LBB2_15-.Ltmp14, $4  }
0x17a: {  	_ = 	snop  }
0x17b: {  	v17 =	vld.msk [tilespmem:s21+$0x6002 ss:$0x0], $0xffff  }
0x17c: {  	v20 =	vimm.s32 $0x0;
	s7 =	simm.s32 $0x20;
	s8 =	simm.s32 $0x4020;
	v18 =	vld.msk [tilespmem:s21+$0x6182 ss:$0x0], $0xffff  }
0x17d: {  	s9 =	simm.s32 $0x2020;
	s10 =	simm.s32 $0x0;
	s20 =	simm.s32 $0x0;
	v19 =	vld.msk [tilespmem:s21+$0x6302 ss:$0x0], $0xffff;
	[tilespmem:$0x6600] =	vst v20  }
.LBB2_18:
0x17e: {  	v36 =	vmul.f32 v36, v36;
	v28 =	vadd.f32 v28, v29;
	_ =	sdelay $0x1  }
0x17f: {  	v44 =	vadd.f32 v32, v36;
	v28 =	vadd.f32 v37, v28  }
0x180: {  	v45 =	vmul.f32 v40, v40;
	v26 =	vadd.f32 v26, v38  }
0x181: {  	v27 =	vadd.f32 v27, v44;
	vm8 =	vlt.f32 v28, $3.999999910e-02  }
0x182: {  	vm7 =	vlt.f32 v26, $3.999999910e-02;
	v46 =	vadd.f32 v45, v35;
	v28 =	vsel vm8, $0x1, v3  }
0x183: {  	v47 =	vsel vm7, $0x1, v3;
	(xrf0) =	vadd.scan.msk.s32 $0xffff, v28;
	vm6 =	vlt.f32 v27, $3.999999910e-02  }
0x184: {  	vm5 =	vlt.f32 v46, $3.999999910e-02;
	(xrf0) =	vadd.scan.msk.s32 $0xffff, v47;
	v48 =	vsel vm6, $0x1, v3  }
0x185: {  	v49 =	vsel vm5, $0x1, v3;
	(xrf0) =	vadd.scan.msk.s32 $0xffff, v48  }
0x186: {  	v50, _, _ =	vpop (xrf0);
	vm3 =	vmmov vm3;
	(xrf0) =	vadd.scan.msk.s32 $0xffff, v49  }
0x187: {  	vm4 =	vmmov vm4;
	v52 =	vadd.s32 v33, v39;
	v51, _, _ =	vpop (xrf0);
	v20 =	vadd.s32 v50, v20  }
0x188: {  	v53 =	vmpcnt.ones.xlane vm3;
	v20 =	vadd.s32 $0xFFFFFFFF, v20;
	v26 =	vadd.s32 v51, v52  }
0x189: {  	v26 =	vadd.s32 $0xFFFFFFFF, v26;
	v27 =	vadd.s32 v52, v31;
	v54 =	vmpcnt.ones.xlane vm6;
	v55, _, _ =	vpop (xrf0)  }
0x18a: {  	v58 =	vmpcnt.ones.xlane vm7;
	v56 =	vadd.s32 v34, v27;
	v27 =	vadd.s32 v27, v53;
	v57, _, _ =	vpop (xrf0)  }
0x18b: {  	v30 =	vadd.s32 $0xFFFFFFFF, v30;
	v59 =	vmpcnt.ones.xlane vm5;
	v29 =	vadd.s32 v27, v54;
	v60, _, _ =	vpop (xrf0)  }
0x18c: {  	v32 =	vadd.s32 $0xFFFFFFFF, v56;
	v33 =	vadd.s32 v29, v58;
	v27 =	vadd.s32 v60, v27;
	v61, _, _ =	vpop (xrf0)  }
0x18d: {  	v27 =	vadd.s32 $0xFFFFFFFF, v27;
	v35 =	vadd.s32 v61, v33;
	v33 =	vadd.s32 v33, v59  }
0x18e: {  	[tilespmem:v20+s22+$0x0] =	vst.idx.msk vm2, v25;
	v20 =	vadd.s32 $0xFFFFFFFF, v35;
	v62 =	vadd.s32 v55, v33  }
0x18f: {  	[tilespmem:v26+s22+$0x0] =	vst.idx.msk vm1, v21;
	v21 =	vadd.s32 v57, v29;
	v25 =	vadd.s32 $0xFFFFFFFF, v62  }
0x190: {  	s1 =	sadd.s32 $0x40, s11;
	[tilespmem:v30+s22+$0x0] =	vst.idx.msk vm4, v23;
	v21 =	vadd.s32 $0xFFFFFFFF, v21  }
0x191: {  	v23 =	vor.u32 s1, v0;
	[tilespmem:v32+s22+$0x0] =	vst.idx.msk vm3, v24  }
0x192: {  	s21 =	sadd.s32 $0x70, s11;
	vm2 =	vmmov vm8;
	[tilespmem:v27+s22+$0x0] =	vst.idx.msk vm6, v23  }
0x193: {  	s2 =	sadd.s32 $0x50, s11;
	v63 =	vmpcnt.ones.xlane vm2;
	v23 =	vor.u32 s21, v0;
	[tilespmem:v20+s22+$0x0] =	vst.idx.msk vm5, v22  }
0x194: {  	v22 =	vor.u32 s2, v0;
	[tilespmem:v25+s22+$0x0] =	vst.idx.msk vm8, v23  }
0x195: {  	vm1 =	vmmov vm7;
	v20 =	vadd.s32 v33, v63;
	[tilespmem:v21+s22+$0x0] =	vst.idx.msk vm7, v22  }
.LBB2_19:
0x196: {  	s10 =	sadd.s32 $0x1, s10  }
0x197: {  	p0 =	sne.s32 s10, $0x10  }
.Ltmp15:
0x198: {  	_ = 	snop;
	(pc) =	sbr.rel @!p0 .LBB2_20-.Ltmp15, $3  }
0x199: {  	_ =	sdelay $0x1  }
0x19a: {  	s20 =	sadd.s32 $0x200, s20  }
0x19b: {  	s7 =	sadd.s32 $0x200, s7;
	s8 =	sadd.s32 $0x200, s8;
	s9 =	sadd.s32 $0x200, s9  }
.LBB2_15:
0x19c: {  	(v2sf) =	vpush v20, $0x0;
	_ =	sdelay $0xe  }
0x19d: {  	s1 =	spop (v2sf)  }
0x19e: {  	p0 =	sgt.s32 s1, $0x1F  }
.Ltmp16:
0x19f: {  	_ = 	snop;
	(pc) =	sbr.rel @p0 .LBB2_19-.Ltmp16, $1  }
0x1a0: {  	_ =	sdelay $0x3  }
0x1a1: {  	v21 =	vld [tilespmem:s9+$0xFFFFFFF0]  }
0x1a2: {  	v22 =	vld [tilespmem:s8+$0x10]  }
0x1a3: {  	v23 =	vld [tilespmem:s9+$0x10]  }
0x1a4: {  	v24 =	vld [tilespmem:s7+$0x10]  }
0x1a5: {  	v25 =	vld [tilespmem:s8+$0xFFFFFFF0]  }
0x1a6: {  	v26 =	vld [tilespmem:s9+$0xFFFFFFE0]  }
0x1a7: {  	v27 =	vld [tilespmem:s9+$0x0]  }
0x1a8: {  	v28 =	vld [tilespmem:s7+$0x0]  }
0x1a9: {  	v29 =	vld [tilespmem:s7+$0xFFFFFFF0]  }
0x1aa: {  	v31 =	vld [tilespmem:s7+$0xFFFFFFE0];
	v30 =	vsub.f32 v21, v18  }
0x1ab: {  	s1 =	sadd.s32 $0xFFFFFFC0, s20;
	v32 =	vld [tilespmem:s8+$0xFFFFFFE0];
	v22 =	vsub.f32 v22, v19;
	v23 =	vsub.f32 v23, v18  }
0x1ac: {  	s2 =	sadd.s32 $0x60, s1;
	v24 =	vsub.f32 v24, v17;
	v25 =	vsub.f32 v25, v19  }
0x1ad: {  	v21 =	vor.u32 s2, v0;
	v27 =	vsub.f32 v27, v18;
	v28 =	vsub.f32 v28, v17  }
0x1ae: {  	v33 =	vld [tilespmem:s8+$0x0];
	s16 =	sadd.s32 $0x40, s9;
	v26 =	vsub.f32 v26, v18;
	v29 =	vsub.f32 v29, v17;
	v30 =	vmul.f32 v30, v30  }
0x1af: {  	s14 =	sadd.s32 $0x40, s8;
	v34 =	vld [tilespmem:s16+$0xFFFFFFF0];
	v31 =	vsub.f32 v31, v17;
	v27 =	vmul.f32 v27, v27;
	v28 =	vmul.f32 v28, v28  }
0x1b0: {  	v35 =	vld [tilespmem:s14+$0x10];
	v32 =	vsub.f32 v32, v19;
	v23 =	vmul.f32 v23, v23;
	v29 =	vmul.f32 v29, v29  }
0x1b1: {  	s13 =	sadd.s32 $0x40, s7;
	v60 =	vld [tilespmem:s14+$0xFFFFFFE0];
	v26 =	vmul.f32 v26, v26;
	v27 =	vadd.f32 v27, v28;
	v28 =	vmul.f32 v31, v31  }
0x1b2: {  	v24 =	vmul.f32 v24, v24;
	v25 =	vmul.f32 v25, v25;
	v29 =	vadd.f32 v30, v29;
	v30 =	vld [tilespmem:s13+$0x10]  }
0x1b3: {  	v62 =	vld [tilespmem:s16+$0x0];
	v32 =	vmul.f32 v32, v32;
	v31 =	vsub.f32 v33, v19;
	v26 =	vadd.f32 v26, v28  }
0x1b4: {  	v22 =	vmul.f32 v22, v22;
	v23 =	vadd.f32 v23, v24;
	v24 =	vld [tilespmem:s16+$0x10];
	v25 =	vadd.f32 v25, v29  }
0x1b5: {  	v28 =	vld [tilespmem:s14+$0xFFFFFFF0];
	v31 =	vmul.f32 v31, v31;
	v32 =	vadd.f32 v32, v26;
	v26 =	vsub.f32 v34, v18  }
0x1b6: {  	s11 =	sadd.s32 $0x0, s20;
	v37 =	vld [tilespmem:s13+$0xFFFFFFF0];
	v61 =	vsub.f32 v35, v19;
	v23 =	vadd.f32 v22, v23;
	vm4 =	vlt.f32 v25, $3.999999910e-02  }
0x1b7: {  	s17 =	sadd.s32 $0x60, s11;
	v25 =	vadd.f32 v31, v27;
	v38 =	vmul.f32 v26, v26;
	v26 =	vsub.f32 v30, v17;
	v30 =	vld [tilespmem:s13+$0x0]  }
0x1b8: {  	v33 =	vsub.f32 v60, v19;
	v22 =	vor.u32 s17, v0;
	vm3 =	vlt.f32 v23, $3.999999910e-02;
	v23 =	vld [tilespmem:s16+$0xFFFFFFE0]  }
0x1b9: {  	v24 =	vsub.f32 v24, v18;
	v36 =	vsel vm3, $0x1, v3;
	vm1 =	vlt.f32 v25, $3.999999910e-02  }
0x1ba: {  	v25 =	vsub.f32 v62, v18;
	vm2 =	vlt.f32 v32, $3.999999910e-02;
	v27 =	vsub.f32 v28, v19  }
0x1bb: {  	v31 =	vld [tilespmem:s13+$0xFFFFFFE0];
	(xrf0) =	vadd.scan.msk.s32 $0xffff, v36;
	v28 =	vmul.f32 v24, v24;
	v24 =	vsel vm4, $0x1, v3;
	v29 =	vmul.f32 v26, v26  }
0x1bc: {  	(xrf0) =	vadd.scan.msk.s32 $0xffff, v24;
	v39 =	vmul.f32 v25, v25;
	v25 =	vsub.f32 v37, v17;
	v30 =	vsub.f32 v30, v17  }
0x1bd: {  	v24 =	vld [tilespmem:s14+$0x0];
	v37 =	vmul.f32 v61, v61;
	v23 =	vsub.f32 v23, v18;
	v26 =	vmul.f32 v27, v27  }
0x1be: {  	v63 =	vsel vm2, $0x1, v3;
	v42 =	vmul.f32 v25, v25;
	v30 =	vmul.f32 v30, v30  }
0x1bf: {  	v41 =	vsel vm1, $0x1, v3;
	(xrf0) =	vadd.scan.msk.s32 $0xffff, v63;
	v32 =	vmul.f32 v23, v23;
	v23 =	vmpcnt.ones.xlane vm2  }
0x1c0: {  	s12 =	sadd.s32 $0x40, s1;
	v27 =	vmul.f32 v33, v33;
	v36 =	vsub.f32 v31, v17;
	v31 =	vmpcnt.ones.xlane vm1  }
0x1c1: {  	s21 =	sadd.s32 $0x50, s1;
	v25 =	vor.u32 s12, v0;
	v34, _, _ =	vpop (xrf0);
	(xrf0) =	vadd.scan.msk.s32 $0xffff, v41;
	v38 =	vadd.f32 v38, v42;
	v33 =	vadd.s32 v20, v23  }
0x1c2: {  	s1 =	sadd.s32 $0x70, s1;
	s13 =	sadd.s32 $0x40, s13;
	v23 =	vor.u32 s21, v0;
	v40 =	vsub.f32 v24, v19;
	v35 =	vadd.f32 v39, v30;
	v30, _, _ =	vpop (xrf0)  }
0x1c3: {  	s14 =	sadd.s32 $0x40, s14;
	s12 =	simm.s32 $0x40;
	v24 =	vor.u32 s1, v0;
	s1 =	sadd.s32 $0x40, s16;
	v39 =	vmpcnt.ones.xlane vm4;
	v30 =	vadd.s32 v30, v33  }
.LBB2_17:
0x1c4: {  	v44 =	vmul.f32 v36, v36;
	v40 =	vmul.f32 v40, v40  }
0x1c5: {  	s16 =	sadd.s32 s12, s20;
	v41 =	vld [tilespmem:s1+$0xFFFFFFF0];
	s12 =	sadd.s32 $0x40, s12;
	v28 =	vadd.f32 v28, v29;
	v29, _, _ =	vpop (xrf0);
	vm6 =	vmmov vm3;
	vm5 =	vmmov vm4  }
0x1c6: {  	s2 =	sadd.s32 $0x60, s16;
	v42 =	vld [tilespmem:s14+$0x10];
	p0 =	slt.u32 s12, $0x1C0;
	v20 =	vadd.s32 v29, v20;
	v29 =	vadd.s32 v33, v39;
	v33 =	vmpcnt.ones.xlane vm6  }
0x1c7: {  	v39 =	vor.u32 s2, v0;
	v43 =	vld [tilespmem:s1+$0x10];
	v32 =	vadd.f32 v32, v44;
	v28 =	vadd.f32 v37, v28;
	v36, _, _ =	vpop (xrf0)  }
0x1c8: {  	v44 =	vadd.s32 $0xFFFFFFFF, v20;
	v37 =	vld [tilespmem:s13+$0x10];
	v20 =	vadd.s32 v36, v29;
	v29 =	vadd.s32 v29, v31  }
0x1c9: {  	v31 =	vld [tilespmem:s14+$0xFFFFFFF0];
	v32 =	vadd.f32 v27, v32;
	v27 =	vadd.s32 $0xFFFFFFFF, v20;
	v20 =	vadd.s32 v34, v29  }
0x1ca: {  	v26 =	vadd.f32 v26, v38;
	vm3 =	vlt.f32 v28, $3.999999910e-02;
	v34 =	vld [tilespmem:s14+$0xFFFFFFE0];
	v36 =	vadd.s32 $0xFFFFFFFF, v20  }
0x1cb: {  	v28 =	vsub.f32 v41, v18;
	v20 =	vadd.s32 v29, v33;
	v38 =	vld [tilespmem:s1+$0xFFFFFFE0];
	v41 =	vsub.f32 v42, v19  }
0x1cc: {  	vm4 =	vlt.f32 v26, $3.999999910e-02;
	v35 =	vadd.f32 v40, v35;
	v33 =	vld [tilespmem:s1+$0x0];
	v29 =	vsub.f32 v43, v18  }
0x1cd: {  	v42 =	vmul.f32 v28, v28;
	v40 =	vld [tilespmem:s13+$0xFFFFFFE0];
	v26 =	vsub.f32 v37, v17;
	[tilespmem:v44+s22+$0x0] =	vst.idx.msk vm2, v25;
	v25 =	vadd.s32 $0xFFFFFFFF, v30  }
0x1ce: {  	v37 =	vsel vm4, $0x1, v3;
	v30 =	vsub.f32 v31, v19;
	v31 =	vld [tilespmem:s13+$0x0];
	v28 =	vmul.f32 v29, v29;
	[tilespmem:v27+s22+$0x0] =	vst.idx.msk vm1, v21  }
0x1cf: {  	v43 =	vsel vm3, $0x1, v3;
	v27 =	vsub.f32 v34, v19;
	v34 =	vld [tilespmem:s13+$0xFFFFFFF0];
	v29 =	vmul.f32 v26, v26;
	[tilespmem:v36+s22+$0x0] =	vst.idx.msk vm6, v24  }
0x1d0: {  	vm1 =	vlt.f32 v35, $3.999999910e-02;
	v21 =	vmovc v22;
	v24 =	vsub.f32 v38, v18;
	v26 =	vmul.f32 v30, v30;
	(xrf0) =	vadd.scan.msk.s32 $0xffff, v43  }
0x1d1: {  	vm2 =	vlt.f32 v32, $3.999999910e-02;
	v22 =	vmovc v39;
	v27 =	vmul.f32 v27, v27;
	v30 =	vsub.f32 v33, v18;
	(xrf0) =	vadd.scan.msk.s32 $0xffff, v37  }
0x1d2: {  	v35 =	vmpcnt.ones.xlane vm2;
	v33 =	vsel vm2, $0x1, v3;
	v32 =	vmul.f32 v24, v24;
	v24 =	vld [tilespmem:s14+$0x0];
	[tilespmem:v25+s22+$0x0] =	vst.idx.msk vm5, v23  }
0x1d3: {  	v36 =	vsub.f32 v40, v17;
	v23 =	vsub.f32 v31, v17;
	v30 =	vmul.f32 v30, v30;
	(xrf0) =	vadd.scan.msk.s32 $0xffff, v33  }
.Ltmp17:
0x1d4: {  	s2 =	sadd.s32 $0x50, s11;
	v39 =	vsel vm1, $0x1, v3;
	v33 =	vadd.s32 v20, v35;
	v25 =	vsub.f32 v34, v17;
	(pc) =	sbr.rel @p0 .LBB2_17-.Ltmp17, $4  }
0x1d5: {  	s17 =	sadd.s32 $0x40, s11;
	v31 =	vmpcnt.ones.xlane vm1;
	v35 =	vmul.f32 v23, v23;
	v23 =	vor.u32 s2, v0;
	(xrf0) =	vadd.scan.msk.s32 $0xffff, v39  }
0x1d6: {  	v37 =	vmul.f32 v41, v41;
	s2 =	sadd.s32 $0x70, s11;
	s11 =	smov.u32 s16;
	v38 =	vmul.f32 v25, v25;
	v25 =	vor.u32 s17, v0;
	v34, _, _ =	vpop (xrf0)  }
0x1d7: {  	v35 =	vadd.f32 v30, v35;
	v40 =	vsub.f32 v24, v19;
	v24 =	vor.u32 s2, v0;
	v30, _, _ =	vpop (xrf0)  }
0x1d8: {  	s1 =	sadd.s32 $0x40, s1;
	s13 =	sadd.s32 $0x40, s13;
	s14 =	sadd.s32 $0x40, s14;
	v39 =	vmpcnt.ones.xlane vm4;
	v38 =	vadd.f32 v42, v38;
	v30 =	vadd.s32 v30, v33  }
.Ltmp18:
0x1d9: {  	_ = 	snop;
	(pc) =	sbr.rel .LBB2_18-.Ltmp18, $1  }
0x1da: {  	_ =	sdelay $0x3  }
.LBB2_22:
0x1db: {  	_ =	sfence.sel $0x180000  }
0x1dc: {  	[bflag:$0x0] =	sbarrier.arrive $0xFFFF  }
0x1dd: {  	_ =	strace $0x9000004A  }
0x1de: {  	s0 =	stileid.u32;
	[bflag:$0x2] =	sbarrier.arrive $0xFFFF  }
0x1df: {  	p0 =	sne.s32 s0, $0x0;
	s0 =	rddreg [dreg:$0x1]  }
0x1e0: {  	s0 =	sadd.s32 @!p0 $0x100000, s0  }
0x1e1: {  	[sflag:s0] =	ssyncadd.tile.s32 @!p0 $0x1;
	_ =	shalt  }
.Lfunc_end2:
_tile_overlayer_lowered:
.L_overlay_start_2:
0x1e2: {  	(tag) =	ssettag $0x2  }
0x1e3: {  	s0 =	rddreg [dreg:$0x0];
	s2 =	stileid.u32  }
0x1e4: {  	s1 =	rddreg [dreg:$0x1];
	p0 =	sne.s32 s2, $0x0  }
0x1e5: {  	s3 =	rddreg [dreg:$0x2];
	[bflag:$0x3] =	sbarrier.arrive $0xFFFF;
	s2 =	simm.s32 @!p0 $0x1C05  }
0x1e6: {  	[timem:s3], [sflag:s2] =	dma.local @!p0 [hbm:s0], s1  }
0x1e7: {  	s0 =	simm.s32 @!p0 $0x5  }
0x1e8: {  	_ =	swait.ge @!p0 [sflag:s0], s1  }
0x1e9: {  	s1 =	ssub.s32 @!p0 $0x0, s1;
	[sflag:s0] =	ssyncset.done @!p0 $0x0  }
0x1ea: {  	[sflag:s0] =	ssyncadd.s32 @!p0 s1  }
0x1eb: {  	[bflag:$0x3] =	sbarrier.arrive $0xFFFF  }
0x1ec: {  	_ =	shalt  }

// kernel: sparse-core-data-format-call.1.cloned.1.call-start
scs
called_computation.1_lowered:
.L_overlay_start_0:
0x0: {  	s2 =	sld [smem:$0x3FD9]  }
0x1: {  	s3 =	sld [smem:$0x3FFE];
	_ =	sdelay $0x1  }
0x2: {  	s1 =	srdreg.scid  }
0x3: {  	s0 =	sand.u32 $0x1, s1  }
0x4: {  	s18 =	sshll.u32 s0, $0xA;
	s2 =	sadd.s32 s3, s2  }
0x5: {  	s2 =	sadd.s32 s2, s18  }
0x6: {  	[smem:$0x3FC4] =	sst s2  }
0x7: {  	_ = 	snop  }
0x8: {  	s2 =	sld [smem:$0x3FD0];
	(tm) =	ssettm $0x1  }
0x9: {  	s19 =	sld [smem:$0x3FFB];
	_ =	sdelay $0x3  }
0xa: {  	_ =	strace s19  }
0xb: {  	s3 =	sld [smem:$0x3FFC];
	_ =	sdelay $0x3  }
0xc: {  	_ =	strace s3  }
0xd: {  	s3 =	sld [smem:$0x3FFD];
	_ =	sdelay $0x3  }
0xe: {  	_ =	strace s3  }
0xf: {  	_ =	strace $0x8FFFFFFF  }
0x10: {  	s20 =	sld [smem:$0x3FDB];
	_ =	sdelay $0x1  }
0x11: {  	s4 =	simm.s32 $_scs_section_size  }
0x12: {  	s5 =	simm.s32 $_size__tile_overlayer_lowered;
	s6 =	simm.s32 $_tile_overlayer_lowered  }
0x13: {  	s23 =	simm.s32 $0x1BFF;
	s22 =	sshll.u32 s6, $0x1;
	s3 =	sadd.s32 s4, s20  }
0x14: {  	s7 =	simm.s32 $0x0;
	s21 =	sshll.u32 s5, $0x1;
	s5 =	sadd.s32 s22, s3  }
0x15: {  	[timem:s7], [sflag:s23] =	dma.local [hbm:s5], s21  }
0x16: {  	_ =	swait.ge [sflag:s23], s21  }
0x17: {  	s4 =	ssub.s32 $0x0, s21;
	[sflag:s23] =	ssyncset.done $0x0  }
0x18: {  	[sflag:s23] =	ssyncadd.s32 s4;
	_ =	sdelay $0x1  }
0x19: {  	s24 =	simm.s32 $0x1B8B  }
0x1a: {  	_ =	swait.ge [sflag:s24], $0x1  }
0x1b: {  	[sflag:s24] =	ssyncset.done $0x0  }
0x1c: {  	s26 =	simm.s32 $0x1B8E;
	s25 =	sld [smem:$0x3FFE];
	[sflag:s24] =	ssyncadd.s32 $0xFFFFFFFF  }
0x1d: {  	s27 =	simm.s32 $execute0_lowered;
	[smem:$0x3FD2] =	sst s26  }
0x1e: {  	s5 =	sshll.u32 s27, $0x1;
	_ =	strace $0x80000046;
	[dreg:$0x1] =	wrdreg $0xFFFFFFFF  }
0x1f: {  	s28 =	simm.s32 $_size_execute0_lowered;
	s3 =	sadd.s32 s3, s5;
	[dreg:$0x0] =	wrdreg $0x0  }
0x20: {  	s5 =	sshll.u32 s28, $0x1;
	[dreg:$0x2] =	wrdreg s3  }
0x21: {  	[dreg:$0x3] =	wrdreg s5  }
0x22: {  	[dreg:$0x4] =	wrdreg $0xC0  }
0x23: {  	_ =	task [dreg:s7], $0x5FFFF  }
0x24: {  	[dreg:$0x1] =	wrdreg $0xFFFFFFFF  }
0x25: {  	[dreg:$0x0] =	wrdreg $0x60  }
0x26: {  	[dreg:$0x2] =	wrdreg s2  }
0x27: {  	[dreg:$0x3] =	wrdreg s25  }
0x28: {  	[dreg:$0x4] =	wrdreg $0x9  }
0x29: {  	_ =	task.clear_ibuf [dreg:s7], $0x5FFFF;
	_ =	strace $0x90000046  }
0x2a: {  	s29 =	simm.s32 $0x9;
	_ =	strace $0x80000048  }
0x2b: {  	_ =	swait.ge [sflag:s29], $0x1  }
0x2c: {  	[sflag:s29] =	ssyncadd.s32 $0xFFFFFFFF  }
0x2d: {  	_ =	strace $0x90000048  }
0x2e: {  	_ =	sfence  }
0x2f: {  	s30 =	sld [smem:$0x0];
	_ =	sdelay $0x2  }
0x30: {  	s31 =	sshll.u32 s1, $0xD;
	s1 =	sshrl.u32 s1, $0x2  }
0x31: {  	s3 =	sand.u32 $0x4000, s31;
	s1 =	sadd.s32 s1, s30  }
0x32: {  	s0 =	sor.u32 s3, s0;
	s1 =	sshll.u32 s1, $0x11  }
0x33: {  	s0 =	sor.u32 s1, s0  }
0x34: {  	s0 =	sadd.s32 $0x8F2B, s0  }
0x35: {  	[sflag:s0] =	ssyncadd.remote.s32 $0x1  }
0x36: {  	_ =	sfence.sel $0xFFFF  }
0x37: {  	[dreg:$0x0] =	wrdreg $0xFFFFFFFF;
	(pc) =	sbr.abs _section_cstart, $3  }
0x38: {  	[dreg:$0x1] =	wrdreg $0xFFFFFFFF  }
0x39: {  	_ =	task.clear_ibuf [dreg:s7], $0x2FFFF;
	_ =	strace $0x9FFFFFFF  }
0x3a: {  	(tm) =	ssettm $0x7FFFFFFF  }
0x3b: {  	_ =	shalt  }
tec
execute0_lowered:
.L_overlay_start_1:
0x0: {  	(tag) =	ssettag $0x1  }
0x1: {  	s0 =	stileid.u32  }
0x2: {  	s1 =	srdreg.scid;
	s2 =	rddreg [dreg:$0x0]  }
0x3: {  	s4 =	rddreg [dreg:$0x1];
	s7 =	simm.s32 $0x1;
	s8 =	simm.s32 $0x2  }
0x4: {  	s15 =	simm.s32 $0x0;
	s3 =	sshll.u32 s0, $0x4;
	s1 =	sshll.u32 s1, $0x8  }
0x5: {  	s13 =	simm.s32 $0x0;
	s14 =	simm.s32 $0x0;
	s1 =	sor.u32 s3, s1  }
0x6: {  	s10 =	simm.s32 $0x0;
	s12 =	simm.s32 $0x0;
	s3 =	sand.u32 $0x180, s1  }
0x7: {  	s4 =	sadd.s32 $0x1800, s4;
	s1 =	rddreg [dreg:$0x2];
	s6 =	ssub.s32 $0x2000, s3  }
.Ltmp0:
0x8: {  	_ =	strace $0x80000047;
	s5 =	sand.u32 $0x180, s6;
	(pc) =	sbr.rel .LBB1_1-.Ltmp0, $4  }
0x9: {  	s9 =	smov.u32 s3;
	p0 =	sne.s32 s5, $0x0;
	s5 =	simm.s32 $0x1  }
0xa: {  	s6 =	sshrl.u32 s6, $0x9;
	s7 =	simm.s32 @!p0 $0x0;
	[sflag:s5] =	ssyncpa.u1 $0x0  }
0xb: {  	p0 =	por $0x0, $0x0;
	s6 =	sadd.s32 s7, s6;
	s7 =	sand.u32 $0x7, s0  }
0xc: {  	[sflag:s8] =	ssyncpa.u1 $0x0;
	s8 =	sadd.s32 $0x1, s6;
	s11 =	smov.u32 s7  }
.LBB1_4:
0xd: {  	v5 =	vld [tilespmem:s19+$0xFFFFFFD0];
	[tilespmem:s18+$0x2040 ss:$0x81] =	vst.msk $0xffff, v1  }
0xe: {  	v58 =	vld [tilespmem:s19+$0xFFFFFFE0];
	[tilespmem:s18+$0x2850 ss:$0x81] =	vst.msk $0xffff, v2  }
0xf: {  	s20 =	sshra.s32 s20, $0x2;
	v59 =	vld [tilespmem:s19+$0xFFFFFFF0];
	[tilespmem:s18+$0x3060 ss:$0x81] =	vst.msk $0xffff, v3  }
0x10: {  	v60 =	vld [tilespmem:s19+$0x0];
	[tilespmem:s18+$0x0 ss:$0x81] =	vst.msk $0xffff, v0;
	s17 =	sadd.s32 s20, s17  }
0x11: {  	v61 =	vld [tilespmem:s19+$0x10];
	[tilespmem:s17+$0x3870 ss:$0x81] =	vst.msk $0xffff, v4  }
0x12: {  	v62 =	vld [tilespmem:s19+$0x20];
	s15 =	sshll.u32 s15, $0x7;
	s28 =	sshll.u32 s13, $0x3;
	[tilespmem:s17+$0x810 ss:$0x81] =	vst.msk $0xffff, v5  }
0x13: {  	v63 =	vld [tilespmem:s19+$0xFFFFFFC0];
	s29 =	sand.u32 $0xFFC00, s15;
	s18 =	sand.u32 $0xFFC00, s28;
	[tilespmem:s17+$0x1020 ss:$0x81] =	vst.msk $0xffff, v58  }
0x14: {  	s15 =	sand.u32 $0x380, s15;
	s18 =	sadd.s32 s18, s29;
	[tilespmem:s17+$0x1830 ss:$0x81] =	vst.msk $0xffff, v59  }
0x15: {  	s14 =	sshll.u32 s14, $0x11;
	s30 =	sshrl.u32 s13, $0x3;
	s15 =	sor.u32 s15, s18;
	[tilespmem:s17+$0x2040 ss:$0x81] =	vst.msk $0xffff, v60  }
0x16: {  	s14 =	sadd.s32 s4, s14;
	s18 =	sand.u32 $0xF, s30;
	s15 =	sshrl.u32 s15, $0x3;
	[tilespmem:s17+$0x2850 ss:$0x81] =	vst.msk $0xffff, v61  }
0x17: {  	s14 =	sadd.s32 s18, s14;
	[tilespmem:s17+$0x3060 ss:$0x81] =	vst.msk $0xffff, v62;
	s15 =	sand.u32 $0x1FFF0, s15  }
0x18: {  	s31 =	sand.u32 $0x7, s13;
	[tilespmem:s17+$0x0 ss:$0x81] =	vst.msk $0xffff, v63;
	s14 =	sadd.s32 s15, s14  }
0x19: {  	[hbm4b:s14+s31] =	stream.linear.scatter [tilespmem:s16], [sflag:$0x2], $0x4000, $0x20;
	[tilespmem:$0x10100] =	vst v63  }
.LBB1_5:
0x1a: {  	s16 =	sadd.s32 $0x200, s9  }
0x1b: {  	s13 =	sadd.s32 $0x80, s10;
	s17 =	smov.u32 s10;
	p2 =	sgt.s32 s16, $0x1FFF  }
0x1c: {  	s17 =	smov.u32 @p2 s13  }
0x1d: {  	s19 =	smov.u32 s11;
	s13 =	sadd.s32 $0x8, s11;
	p3 =	sgt.s32 s17, $0x7F  }
0x1e: {  	s19 =	smov.u32 @p3 s13  }
0x1f: {  	s16 =	smov.u32 @p2 s3;
	p2 =	sgt.s32 s19, $0x7  }
0x20: {  	p1 =	slt.u32 s12, $0x2;
	s19 =	smov.u32 @p2 s7;
	p2 =	sne.s32 s12, s8  }
.Ltmp1:
0x21: {  	s18 =	simm.s32 @!p1 $0x2;
	(pc) =	sbr.rel @!p2 .LBB1_6-.Ltmp1, $4  }
0x22: {  	s15 =	smov.u32 s9;
	s14 =	smov.u32 s11;
	_ =	swait.ge @!p1 [sflag:s18], $0x4000  }
0x23: {  	p0 =	por !p0, !p0;
	[sflag:s18] =	ssyncset.done @!p1 $0x0;
	s9 =	smov.u32 s16  }
0x24: {  	s17 =	simm.s32 @p3 $0x0;
	s13 =	smov.u32 s10;
	[sflag:s18] =	ssyncadd.s32 @!p1 $0xFFFFC000  }
0x25: {  	s10 =	smov.u32 s17;
	s12 =	sadd.s32 $0x1, s12;
	s11 =	smov.u32 s19  }
.LBB1_1:
0x26: {  	p1 =	sge.u32 s12, s6;
	s31 =	sadd.s32 $0xFFFFFFFF, s12  }
0x27: {  	s16 =	sxor.u32 @!p1 $0xFFFFFFFF, s12;
	s17 =	sand.u32 @!p1 $0x78, s9;
	s18 =	sshll.u32 @!p1 s10, $0xD  }
0x28: {  	s19 =	sshll.u32 @!p1 s10, $0x7;
	s20 =	sshll.u32 @!p1 s9, $0x3;
	s16 =	sshll.u32 @!p1 s16, $0xE  }
0x29: {  	s18 =	sand.u32 @!p1 $0xF0000, s18;
	s19 =	sand.u32 @!p1 $0x380, s19;
	s16 =	sand.u32 @!p1 $0x4000, s16  }
0x2a: {  	s18 =	sadd.s32 @!p1 s18, s20;
	s20 =	sand.u32 @!p1 $0x1C00, s20;
	s17 =	sor.u32 @!p1 s19, s17  }
0x2b: {  	s19 =	sshll.u32 @!p1 s11, $0x11;
	s17 =	sor.u32 @!p1 s20, s17;
	s18 =	sshrl.u32 @!p1 s18, $0x3  }
0x2c: {  	s19 =	sadd.s32 @!p1 s2, s19;
	s20 =	sand.u32 @!p1 $0x7, s9;
	s18 =	sand.u32 @!p1 $0x1FC00, s18  }
0x2d: {  	s17 =	sshrl.u32 @!p1 s17, $0x3;
	s18 =	sadd.s32 @!p1 s18, s19;
	s19 =	sshll.u32 @!p1 s20, $0x12  }
0x2e: {  	s17 =	sadd.s32 @!p1 s17, s18;
	s18 =	sor.u32 @!p1 $0x400, s19;
	s19 =	simm.s32 @!p1 $0x10000  }
0x2f: {  	[tilespmem:s16], [sflag:$0x1] =	stream.strided.gather @!p1 [hbm4b:s17+s18], $0x4000, s19, s18, $0x38;
	[tilespmem:$0x10100] =	vst v63  }
0x30: {  	p1 =	sge.u32 s31, s6  }
.Ltmp2:
0x31: {  	_ = 	snop;
	(pc) =	sbr.rel @p1 .LBB1_5-.Ltmp2, $1  }
0x32: {  	_ =	sdelay $0x3  }
0x33: {  	s16 =	simm.s32 $0x1  }
0x34: {  	_ =	swait.ge [sflag:s5], $0x4000;
	s16 =	simm.s32 @!p0 $0x0  }
0x35: {  	[sflag:s5] =	ssyncset.done $0x0;
	s17 =	sshll.u32 s16, $0xE  }
0x36: {  	[sflag:s5] =	ssyncadd.s32 $0xFFFFC000;
	s19 =	sor.u32 $0x40, s17  }
0x37: {  	s16 =	smul.u32 $0x10200, s16;
	v0 =	vld [tilespmem:s19+$0x30]  }
0x38: {  	v3 =	vld [tilespmem:s19+$0xFFFFFFD0]  }
0x39: {  	s16 =	sshrl.u32 s16, $0x2;
	v4 =	vld [tilespmem:s19+$0xFFFFFFE0]  }
0x3a: {  	v5 =	vld [tilespmem:s19+$0xFFFFFFF0];
	s17 =	sor.u32 $0x8000, s16  }
0x3b: {  	s31 =	sand.u32 $0x1, s12;
	v1 =	vld [tilespmem:s19+$0x0];
	s18 =	sadd.s32 $0x0, s17  }
0x3c: {  	v2 =	vld [tilespmem:s19+$0x10];
	s16 =	smul.u32 $0x10200, s31;
	[tilespmem:s18+$0x3870 ss:$0x81] =	vst.msk $0xffff, v0  }
0x3d: {  	[tilespmem:s18+$0x810 ss:$0x81] =	vst.msk $0xffff, v3;
	v3 =	vld [tilespmem:s19+$0x20]  }
0x3e: {  	s16 =	sshrl.u32 s16, $0x2;
	v0 =	vld [tilespmem:s19+$0xFFFFFFC0];
	[tilespmem:s18+$0x1020 ss:$0x81] =	vst.msk $0xffff, v4;
	s19 =	sadd.s32 $0x80, s19  }
0x3f: {  	s20 =	simm.s32 $0x4;
	s21 =	simm.s32 $0x8;
	s16 =	sor.u32 $0x8000, s16;
	[tilespmem:s18+$0x1830 ss:$0x81] =	vst.msk $0xffff, v5;
	v4 =	vld [tilespmem:s19+$0x30]  }
.LBB1_3:
0x40: {  	p1 =	sne.s32 s21, $0x1FC;
	v5 =	vld [tilespmem:s19+$0xFFFFFFD0];
	[tilespmem:s18+$0x2040 ss:$0x81] =	vst.msk $0xffff, v1  }
0x41: {  	v6 =	vld [tilespmem:s19+$0xFFFFFFE0];
	[tilespmem:s18+$0x2850 ss:$0x81] =	vst.msk $0xffff, v2  }
0x42: {  	s22 =	sshra.s32 s20, $0x2;
	s20 =	smov.u32 s21;
	v7 =	vld [tilespmem:s19+$0xFFFFFFF0];
	[tilespmem:s18+$0x3060 ss:$0x81] =	vst.msk $0xffff, v3  }
.Ltmp3:
0x43: {  	v1 =	vld [tilespmem:s19+$0x0];
	[tilespmem:s18+$0x0 ss:$0x81] =	vst.msk $0xffff, v0;
	s18 =	sadd.s32 s22, s17;
	(pc) =	sbr.rel @p1 .LBB1_3-.Ltmp3, $4  }
0x44: {  	v2 =	vld [tilespmem:s19+$0x10];
	[tilespmem:s18+$0x3870 ss:$0x81] =	vst.msk $0xffff, v4  }
0x45: {  	[tilespmem:s18+$0x810 ss:$0x81] =	vst.msk $0xffff, v5;
	v3 =	vld [tilespmem:s19+$0x20]  }
0x46: {  	v0 =	vld [tilespmem:s19+$0xFFFFFFC0];
	[tilespmem:s18+$0x1020 ss:$0x81] =	vst.msk $0xffff, v6;
	s19 =	sadd.s32 $0x80, s19  }
0x47: {  	s21 =	sadd.s32 $0x4, s21;
	v4 =	vld [tilespmem:s19+$0x30];
	[tilespmem:s18+$0x1830 ss:$0x81] =	vst.msk $0xffff, v7  }
.Ltmp4:
0x48: {  	_ = 	snop;
	(pc) =	sbr.rel .LBB1_4-.Ltmp4, $1  }
0x49: {  	_ =	sdelay $0x3  }
.LBB1_6:
0x4a: {  	_ =	sfence.sel $0x180000  }
0x4b: {  	s2 =	simm.s32 $0x1;
	[bflag:$0x0] =	sbarrier.arrive $0xFFFF  }
0x4c: {  	s31 =	simm.s32 $0x2;
	[sflag:s2] =	ssyncpa.u1 $0x1  }
0x4d: {  	[sflag:s31] =	ssyncpa.u1 $0x1  }
0x4e: {  	p0 =	sne.s32 s0, $0x0;
	_ =	strace $0x90000047  }
0x4f: {  	s0 =	sadd.s32 @!p0 $0x100000, s1;
	[bflag:$0x2] =	sbarrier.arrive $0xFFFF  }
0x50: {  	[sflag:s0] =	ssyncadd.tile.s32 @!p0 $0x1;
	_ =	shalt  }
.Lfunc_end1:
_tile_overlayer_lowered:
.L_overlay_start_2:
0x51: {  	(tag) =	ssettag $0x2  }
0x52: {  	s0 =	rddreg [dreg:$0x0];
	s2 =	stileid.u32  }
0x53: {  	s1 =	rddreg [dreg:$0x1];
	p0 =	sne.s32 s2, $0x0  }
0x54: {  	s3 =	rddreg [dreg:$0x2];
	[bflag:$0x3] =	sbarrier.arrive $0xFFFF;
	s2 =	simm.s32 @!p0 $0x1C01  }
0x55: {  	[timem:s3], [sflag:s2] =	dma.local @!p0 [hbm:s0], s1  }
0x56: {  	s0 =	simm.s32 @!p0 $0x1  }
0x57: {  	_ =	swait.ge @!p0 [sflag:s0], s1  }
0x58: {  	s1 =	ssub.s32 @!p0 $0x0, s1;
	[sflag:s0] =	ssyncset.done @!p0 $0x0  }
0x59: {  	[sflag:s0] =	ssyncadd.s32 @!p0 s1  }
0x5a: {  	[bflag:$0x3] =	sbarrier.arrive $0xFFFF  }
0x5b: {  	_ =	shalt  }

// kernel: sparse-core-data-format-call.cloned.1.call-start
scs
called_computation_lowered:
.L_overlay_start_0:
0x0: {  	s2 =	sld [smem:$0x3FD9]  }
0x1: {  	s3 =	sld [smem:$0x3FFE];
	_ =	sdelay $0x1  }
0x2: {  	s1 =	srdreg.scid  }
0x3: {  	s0 =	sand.u32 $0x1, s1  }
0x4: {  	s18 =	sshll.u32 s0, $0xA;
	s2 =	sadd.s32 s3, s2  }
0x5: {  	s2 =	sadd.s32 s2, s18  }
0x6: {  	[smem:$0x3FC4] =	sst s2  }
0x7: {  	_ = 	snop  }
0x8: {  	s2 =	sld [smem:$0x3FD0];
	(tm) =	ssettm $0x1  }
0x9: {  	s19 =	sld [smem:$0x3FFB];
	_ =	sdelay $0x3  }
0xa: {  	_ =	strace s19  }
0xb: {  	s3 =	sld [smem:$0x3FFC];
	_ =	sdelay $0x3  }
0xc: {  	_ =	strace s3  }
0xd: {  	s3 =	sld [smem:$0x3FFD];
	_ =	sdelay $0x3  }
0xe: {  	_ =	strace s3  }
0xf: {  	_ =	strace $0x8FFFFFFF  }
0x10: {  	s20 =	sld [smem:$0x3FDB];
	_ =	sdelay $0x1  }
0x11: {  	s4 =	simm.s32 $_scs_section_size  }
0x12: {  	s5 =	simm.s32 $_size__tile_overlayer_lowered;
	s6 =	simm.s32 $_tile_overlayer_lowered  }
0x13: {  	s23 =	simm.s32 $0x1BFF;
	s22 =	sshll.u32 s6, $0x1;
	s3 =	sadd.s32 s4, s20  }
0x14: {  	s7 =	simm.s32 $0x0;
	s21 =	sshll.u32 s5, $0x1;
	s5 =	sadd.s32 s22, s3  }
0x15: {  	[timem:s7], [sflag:s23] =	dma.local [hbm:s5], s21  }
0x16: {  	_ =	swait.ge [sflag:s23], s21  }
0x17: {  	s4 =	ssub.s32 $0x0, s21;
	[sflag:s23] =	ssyncset.done $0x0  }
0x18: {  	[sflag:s23] =	ssyncadd.s32 s4;
	_ =	sdelay $0x1  }
0x19: {  	s24 =	simm.s32 $0x1B8B  }
0x1a: {  	_ =	swait.ge [sflag:s24], $0x1  }
0x1b: {  	[sflag:s24] =	ssyncset.done $0x0  }
0x1c: {  	s26 =	simm.s32 $0x1B8E;
	s25 =	sld [smem:$0x3FFE];
	[sflag:s24] =	ssyncadd.s32 $0xFFFFFFFF  }
0x1d: {  	s27 =	simm.s32 $execute0_lowered;
	[smem:$0x3FD2] =	sst s26  }
0x1e: {  	s5 =	sshll.u32 s27, $0x1;
	_ =	strace $0x8000004C;
	[dreg:$0x1] =	wrdreg $0xFFFFFFFF  }
0x1f: {  	s28 =	simm.s32 $_size_execute0_lowered;
	s3 =	sadd.s32 s3, s5;
	[dreg:$0x0] =	wrdreg $0x0  }
0x20: {  	s5 =	sshll.u32 s28, $0x1;
	[dreg:$0x2] =	wrdreg s3  }
0x21: {  	[dreg:$0x3] =	wrdreg s5  }
0x22: {  	[dreg:$0x4] =	wrdreg $0xC0  }
0x23: {  	_ =	task [dreg:s7], $0x5FFFF  }
0x24: {  	[dreg:$0x1] =	wrdreg $0xFFFFFFFF  }
0x25: {  	[dreg:$0x0] =	wrdreg $0x60  }
0x26: {  	[dreg:$0x2] =	wrdreg s25  }
0x27: {  	[dreg:$0x3] =	wrdreg s2  }
0x28: {  	[dreg:$0x4] =	wrdreg $0x9  }
0x29: {  	_ =	task.clear_ibuf [dreg:s7], $0x5FFFF;
	_ =	strace $0x9000004C  }
0x2a: {  	s29 =	simm.s32 $0x9;
	_ =	strace $0x8000004E  }
0x2b: {  	_ =	swait.ge [sflag:s29], $0x1  }
0x2c: {  	[sflag:s29] =	ssyncadd.s32 $0xFFFFFFFF  }
0x2d: {  	_ =	strace $0x9000004E  }
0x2e: {  	_ =	sfence  }
0x2f: {  	s30 =	sld [smem:$0x0];
	_ =	sdelay $0x2  }
0x30: {  	s31 =	sshll.u32 s1, $0xD;
	s1 =	sshrl.u32 s1, $0x2  }
0x31: {  	s3 =	sand.u32 $0x4000, s31;
	s1 =	sadd.s32 s1, s30  }
0x32: {  	s0 =	sor.u32 s3, s0;
	s1 =	sshll.u32 s1, $0x11  }
0x33: {  	s0 =	sor.u32 s1, s0  }
0x34: {  	s0 =	sadd.s32 $0x8F2B, s0  }
0x35: {  	[sflag:s0] =	ssyncadd.remote.s32 $0x1  }
0x36: {  	_ =	sfence.sel $0xFFFF  }
0x37: {  	[dreg:$0x0] =	wrdreg $0xFFFFFFFF;
	(pc) =	sbr.abs _section_cstart, $3  }
0x38: {  	[dreg:$0x1] =	wrdreg $0xFFFFFFFF  }
0x39: {  	_ =	task.clear_ibuf [dreg:s7], $0x2FFFF;
	_ =	strace $0x9FFFFFFF  }
0x3a: {  	(tm) =	ssettm $0x7FFFFFFF  }
0x3b: {  	_ =	shalt  }
tec
execute0_lowered:
.L_overlay_start_1:
0x0: {  	(tag) =	ssettag $0x1  }
0x1: {  	s0 =	stileid.u32;
	s5 =	rddreg [dreg:$0x0]  }
0x2: {  	s1 =	srdreg.scid;
	s3 =	rddreg [dreg:$0x1];
	s6 =	simm.s32 $0x1  }
0x3: {  	s8 =	simm.s32 $0x2;
	s2 =	sshll.u32 s0, $0x4;
	s1 =	sshll.u32 s1, $0x8  }
0x4: {  	s19 =	simm.s32 $0x0;
	s9 =	simm.s32 $0x42000;
	s1 =	sor.u32 s2, s1  }
0x5: {  	s17 =	simm.s32 $0x0;
	s18 =	simm.s32 $0x0;
	s2 =	sand.u32 $0x180, s1  }
0x6: {  	s10 =	simm.s32 $0x0;
	s11 =	simm.s32 $0x0;
	s4 =	ssub.s32 $0x400, s2  }
0x7: {  	s12 =	simm.s32 $0x0;
	s13 =	simm.s32 $0x0;
	s31 =	sand.u32 $0x180, s4  }
0x8: {  	s16 =	simm.s32 $0x0;
	s7 =	sand.u32 $0x7, s0;
	p0 =	sne.s32 s31, $0x0  }
.Ltmp0:
0x9: {  	s4 =	sshrl.u32 s4, $0x9;
	s6 =	simm.s32 @!p0 $0x0;
	(pc) =	sbr.rel .LBB1_1-.Ltmp0, $4  }
0xa: {  	s1 =	rddreg [dreg:$0x2];
	_ =	strace $0x8000004D;
	s6 =	sadd.s32 s6, s4  }
0xb: {  	s4 =	sadd.s32 $0x1800, s5;
	s5 =	simm.s32 $0x1;
	s6 =	smul.u32 $0x21, s6  }
0xc: {  	s15 =	smov.u32 s7;
	s14 =	smov.u32 s2;
	[sflag:s5] =	ssyncpa.u1 $0x0  }
0xd: {  	p0 =	por $0x0, $0x0;
	[sflag:s8] =	ssyncpa.u1 $0x0;
	s8 =	sadd.s32 $0x1, s6  }
.LBB1_4:
0xe: {  	v5 =	vld [tilespmem:s21+$0xFFFFFFD0]  }
0xf: {  	v58 =	vld [tilespmem:s21+$0xFFFFFFE0]  }
0x10: {  	s24 =	sshra.s32 s24, $0x2;
	v59 =	vld [tilespmem:s21+$0xFFFFFFF0]  }
0x11: {  	p2 =	sgt.s32 s12, $0x7;
	s25 =	sshra.s32 s12, $0x1F;
	p1 =	sgt.s32 s10, $0x20;
	v60 =	vld [tilespmem:s21+$0x0]  }
0x12: {  	s26 =	sshra.s32 s11, $0x1F;
	s31 =	sshra.s32 s10, $0x1F;
	v61 =	vld [tilespmem:s21+$0x10];
	s30 =	sshll.u32 s12, $0x7  }
0x13: {  	v62 =	vld [tilespmem:s21+$0x20];
	s23 =	sadd.s32 s24, s23;
	s24 =	smov.u32 s12;
	s25 =	sand.u32 s25, s12  }
0x14: {  	v63 =	vld [tilespmem:s21+$0xFFFFFFC0];
	s26 =	sand.u32 s26, s11;
	s21 =	sand.u32 $0x380, s30;
	s24 =	simm.s32 @!p2 $0x7  }
0x15: {  	[tilespmem:s22+$0x2040 ss:$0x81] =	vst.msk $0xffff, v4;
	p2 =	sgt.s32 s11, $0x380;
	s24 =	ssub.s32 s24, s25;
	s25 =	smov.u32 s11  }
0x16: {  	[tilespmem:s22+$0x2850 ss:$0x81] =	vst.msk $0xffff, v3;
	s27 =	sadd.s32 $0xFFFFFFF9, s24;
	s25 =	simm.s32 @!p2 $0x380;
	s24 =	ssub.s32 $0x8, s24  }
0x17: {  	[tilespmem:s22+$0x3060 ss:$0x81] =	vst.msk $0xffff, v2;
	p2 =	sgt.s32 s27, $0x0;
	s27 =	smov.u32 s10;
	s25 =	ssub.s32 s25, s26  }
0x18: {  	[tilespmem:s22+$0x0 ss:$0x81] =	vst.msk $0xffff, v1;
	s26 =	sand.u32 s31, s10;
	s27 =	simm.s32 @!p1 $0x20;
	s24 =	simm.s32 @p2 $0x0  }
0x19: {  	[tilespmem:s23+$0x3870 ss:$0x81] =	vst.msk $0xffff, v0;
	s28 =	sadd.s32 $0xFFFFFC80, s25;
	s25 =	ssub.s32 $0x400, s25;
	s27 =	ssub.s32 s27, s26  }
0x1a: {  	[tilespmem:s23+$0x810 ss:$0x81] =	vst.msk $0xffff, v5;
	p1 =	sgt.s32 s28, $0x7F;
	s28 =	sshll.u32 s10, $0xA;
	s29 =	ssub.s32 $0x21, s27  }
0x1b: {  	[tilespmem:s23+$0x1020 ss:$0x81] =	vst.msk $0xffff, v58;
	s22 =	sadd.s32 $0xFFFFFFE0, s27;
	s25 =	simm.s32 @p1 $0x0;
	s26 =	smul.u32 $0x46, s29  }
0x1c: {  	[tilespmem:s23+$0x1830 ss:$0x81] =	vst.msk $0xffff, v59;
	s27 =	sand.u32 $0x380, s11;
	p1 =	sgt.s32 s22, $0x0;
	s31 =	smul.u32 s24, s25  }
0x1d: {  	[tilespmem:s23+$0x2040 ss:$0x81] =	vst.msk $0xffff, v60;
	s25 =	sand.u32 $0x78, s11;
	s24 =	sadd.s32 s3, s27;
	s26 =	simm.s32 @p1 $0x0  }
0x1e: {  	[tilespmem:s23+$0x2850 ss:$0x81] =	vst.msk $0xffff, v61;
	s29 =	sand.u32 $0x7, s11;
	s21 =	sor.u32 s25, s21;
	s22 =	smul.u32 s26, s31  }
0x1f: {  	[tilespmem:s23+$0x3060 ss:$0x81] =	vst.msk $0xffff, v62;
	s24 =	sadd.s32 s28, s24;
	s30 =	sshll.u32 s29, $0x12;
	s21 =	sshrl.u32 s21, $0x3  }
0x20: {  	[tilespmem:s23+$0x0 ss:$0x81] =	vst.msk $0xffff, v63;
	s21 =	sadd.s32 s21, s24;
	s31 =	sor.u32 $0x80, s30;
	s22 =	sand.u32 $0x3FFFFFFE, s22  }
0x21: {  	[hbm4b:s21+s31] =	stream.strided.scatter [tilespmem:s20], [sflag:$0x2], s22, s9, s31, $0x20;
	[tilespmem:$0x10100] =	vst v63  }
.LBB1_5:
0x22: {  	p1 =	slt.u32 s16, $0x2  }
0x23: {  	s20 =	smov.u32 s19;
	p2 =	sgt.s32 @!p1 s19, $0x20;
	s21 =	sshra.s32 @!p1 s19, $0x1F  }
0x24: {  	s22 =	sshra.s32 @!p1 s17, $0x1F;
	p2 =	por !p2, p1;
	s19 =	sand.u32 @!p1 s21, s19  }
0x25: {  	s21 =	sshra.s32 @!p1 s18, $0x1F;
	s20 =	simm.s32 @p2 $0x20;
	p2 =	sgt.s32 @!p1 s18, $0x7  }
0x26: {  	s19 =	ssub.s32 @!p1 s20, s19;
	p2 =	por !p2, p1;
	s20 =	smov.u32 s18  }
0x27: {  	s18 =	sand.u32 @!p1 s21, s18;
	s20 =	simm.s32 @p2 $0x7;
	p2 =	sgt.s32 @!p1 s17, $0x380  }
0x28: {  	s21 =	smov.u32 s17;
	s17 =	sand.u32 @!p1 s22, s17;
	p2 =	por !p2, p1  }
0x29: {  	s18 =	ssub.s32 @!p1 s20, s18;
	s20 =	sadd.s32 @!p1 $0xFFFFFFE0, s19;
	s21 =	simm.s32 @p2 $0x380  }
0x2a: {  	s19 =	ssub.s32 @!p1 $0x21, s19;
	s17 =	ssub.s32 @!p1 s21, s17;
	s21 =	sadd.s32 @!p1 $0xFFFFFFF9, s18  }
0x2b: {  	s19 =	smul.u32 @!p1 $0x46, s19;
	p2 =	sgt.s32 @!p1 s21, $0x0;
	s21 =	sadd.s32 @!p1 $0xFFFFFC80, s17  }
0x2c: {  	s18 =	ssub.s32 @!p1 $0x8, s18;
	p2 =	por !p2, p1;
	p3 =	sgt.s32 @!p1 s21, $0x7F  }
0x2d: {  	s17 =	ssub.s32 @!p1 $0x400, s17;
	s18 =	simm.s32 @!p2 $0x0;
	p2 =	por !p3, p1  }
0x2e: {  	s21 =	smov.u32 s14;
	p3 =	sgt.s32 @!p1 s20, $0x0;
	s17 =	simm.s32 @!p2 $0x0  }
0x2f: {  	s20 =	sadd.s32 $0x1, s13;
	p2 =	por !p3, p1;
	s17 =	smul.u32 @!p1 s18, s17  }
0x30: {  	s19 =	simm.s32 @!p2 $0x0;
	p2 =	sgt.s32 s20, $0x20;
	s18 =	sadd.s32 $0x200, s14  }
0x31: {  	p0 =	por !p0, !p0;
	s21 =	smov.u32 @p2 s18  }
0x32: {  	s22 =	smov.u32 s15;
	s18 =	sadd.s32 $0x8, s15;
	p3 =	sgt.s32 s21, $0x3FF  }
0x33: {  	s23 =	simm.s32 @!p1 $0x2;
	s20 =	simm.s32 @p2 $0x0;
	s22 =	smov.u32 @p3 s18  }
0x34: {  	s17 =	smul.u32 @!p1 s19, s17;
	s19 =	smov.u32 s10;
	p2 =	sgt.s32 s22, $0x7  }
0x35: {  	s10 =	smov.u32 s13;
	s22 =	smov.u32 @p2 s7;
	p2 =	sne.s32 s16, s8  }
.Ltmp1:
0x36: {  	s13 =	smov.u32 s20;
	s21 =	smov.u32 @p3 s2;
	(pc) =	sbr.rel @!p2 .LBB1_6-.Ltmp1, $4  }
0x37: {  	s18 =	smov.u32 s12;
	s12 =	smov.u32 s15;
	s17 =	sand.u32 @!p1 $0x3FFFFFFE, s17  }
0x38: {  	_ =	swait.ge @!p1 [sflag:s23], s17;
	s24 =	ssub.s32 @!p1 $0x0, s17;
	s17 =	smov.u32 s11  }
0x39: {  	s16 =	sadd.s32 $0x1, s16;
	s11 =	smov.u32 s14;
	[sflag:s23] =	ssyncset.done @!p1 $0x0  }
0x3a: {  	s14 =	smov.u32 s21;
	s15 =	smov.u32 s22;
	[sflag:s23] =	ssyncadd.s32 @!p1 s24  }
.LBB1_1:
0x3b: {  	p1 =	sge.u32 s16, s6  }
0x3c: {  	s20 =	sand.u32 @!p1 $0x1FFFFFF, s13;
	s22 =	smul.u32 @!p1 $0xA0000, s15  }
0x3d: {  	s21 =	smulhi.u32 @!p1 $0x6666667, s20  }
0x3e: {  	s24 =	smul.u32 @!p1 $0x280, s14  }
0x3f: {  	s21 =	smul.u32 @!p1 $0x28, s21  }
0x40: {  	s31 =	sadd.s32 $0xFFFFFFFF, s16;
	s22 =	sadd.s32 @!p1 s4, s22  }
0x41: {  	s23 =	sxor.u32 @!p1 $0xFFFFFFFF, s16;
	s22 =	sadd.s32 @!p1 s24, s22;
	s20 =	ssub.s32 @!p1 s20, s21  }
0x42: {  	s21 =	sshll.u32 @!p1 s23, $0xE;
	s23 =	simm.s32 @!p1 $0x1400;
	s20 =	sshll.u32 @!p1 s20, $0x4  }
0x43: {  	s21 =	sand.u32 @!p1 $0x4000, s21;
	s20 =	sadd.s32 @!p1 s20, s22;
	s22 =	simm.s32 @!p1 $0x80  }
0x44: {  	[tilespmem:s21], [sflag:$0x1] =	stream.strided.gather @!p1 [hbm4b:s20+s22], $0x4000, s23, s22, $0x38;
	[tilespmem:$0x10100] =	vst v63  }
0x45: {  	p1 =	sge.u32 s31, s6  }
.Ltmp2:
0x46: {  	_ = 	snop;
	(pc) =	sbr.rel @p1 .LBB1_5-.Ltmp2, $1  }
0x47: {  	_ =	sdelay $0x3  }
0x48: {  	s20 =	simm.s32 $0x1  }
0x49: {  	_ =	swait.ge [sflag:s5], $0x4000;
	s20 =	simm.s32 @!p0 $0x0  }
0x4a: {  	[sflag:s5] =	ssyncset.done $0x0;
	s21 =	sshll.u32 s20, $0xE  }
0x4b: {  	[sflag:s5] =	ssyncadd.s32 $0xFFFFC000;
	s21 =	sor.u32 $0x40, s21  }
0x4c: {  	s20 =	smul.u32 $0x10200, s20;
	v0 =	vld [tilespmem:s21+$0x30]  }
0x4d: {  	v1 =	vld [tilespmem:s21+$0xFFFFFFD0]  }
0x4e: {  	s20 =	sshrl.u32 s20, $0x2;
	v5 =	vld [tilespmem:s21+$0xFFFFFFE0]  }
0x4f: {  	v6 =	vld [tilespmem:s21+$0xFFFFFFF0];
	s23 =	sor.u32 $0x8000, s20  }
0x50: {  	s31 =	sand.u32 $0x1, s16;
	v4 =	vld [tilespmem:s21+$0x0];
	s22 =	sadd.s32 $0x0, s23  }
0x51: {  	v3 =	vld [tilespmem:s21+$0x10];
	s20 =	smul.u32 $0x10200, s31;
	[tilespmem:s22+$0x3870 ss:$0x81] =	vst.msk $0xffff, v0  }
0x52: {  	v2 =	vld [tilespmem:s21+$0x20];
	[tilespmem:s22+$0x810 ss:$0x81] =	vst.msk $0xffff, v1  }
0x53: {  	s20 =	sshrl.u32 s20, $0x2;
	v1 =	vld [tilespmem:s21+$0xFFFFFFC0];
	[tilespmem:s22+$0x1020 ss:$0x81] =	vst.msk $0xffff, v5;
	s21 =	sadd.s32 $0x80, s21  }
0x54: {  	s24 =	simm.s32 $0x4;
	s25 =	simm.s32 $0x8;
	s20 =	sor.u32 $0x8000, s20;
	[tilespmem:s22+$0x1830 ss:$0x81] =	vst.msk $0xffff, v6;
	v0 =	vld [tilespmem:s21+$0x30]  }
.LBB1_3:
0x55: {  	p1 =	sne.s32 s25, $0x1FC;
	v5 =	vld [tilespmem:s21+$0xFFFFFFD0];
	[tilespmem:s22+$0x2040 ss:$0x81] =	vst.msk $0xffff, v4  }
0x56: {  	v6 =	vld [tilespmem:s21+$0xFFFFFFE0];
	[tilespmem:s22+$0x2850 ss:$0x81] =	vst.msk $0xffff, v3  }
0x57: {  	s26 =	sshra.s32 s24, $0x2;
	s24 =	smov.u32 s25;
	v7 =	vld [tilespmem:s21+$0xFFFFFFF0];
	[tilespmem:s22+$0x3060 ss:$0x81] =	vst.msk $0xffff, v2  }
.Ltmp3:
0x58: {  	v4 =	vld [tilespmem:s21+$0x0];
	[tilespmem:s22+$0x0 ss:$0x81] =	vst.msk $0xffff, v1;
	s22 =	sadd.s32 s26, s23;
	(pc) =	sbr.rel @p1 .LBB1_3-.Ltmp3, $4  }
0x59: {  	v3 =	vld [tilespmem:s21+$0x10];
	[tilespmem:s22+$0x3870 ss:$0x81] =	vst.msk $0xffff, v0  }
0x5a: {  	[tilespmem:s22+$0x810 ss:$0x81] =	vst.msk $0xffff, v5;
	v2 =	vld [tilespmem:s21+$0x20]  }
0x5b: {  	v1 =	vld [tilespmem:s21+$0xFFFFFFC0];
	[tilespmem:s22+$0x1020 ss:$0x81] =	vst.msk $0xffff, v6;
	s21 =	sadd.s32 $0x80, s21  }
0x5c: {  	s25 =	sadd.s32 $0x4, s25;
	v0 =	vld [tilespmem:s21+$0x30];
	[tilespmem:s22+$0x1830 ss:$0x81] =	vst.msk $0xffff, v7  }
.Ltmp4:
0x5d: {  	_ = 	snop;
	(pc) =	sbr.rel .LBB1_4-.Ltmp4, $1  }
0x5e: {  	_ =	sdelay $0x3  }
.LBB1_6:
0x5f: {  	_ =	sfence.sel $0x180000  }
0x60: {  	s2 =	simm.s32 $0x1;
	[bflag:$0x0] =	sbarrier.arrive $0xFFFF  }
0x61: {  	s31 =	simm.s32 $0x2;
	[sflag:s2] =	ssyncpa.u1 $0x1  }
0x62: {  	[sflag:s31] =	ssyncpa.u1 $0x1  }
0x63: {  	p0 =	sne.s32 s0, $0x0;
	_ =	strace $0x9000004D  }
0x64: {  	s0 =	sadd.s32 @!p0 $0x100000, s1;
	[bflag:$0x2] =	sbarrier.arrive $0xFFFF  }
0x65: {  	[sflag:s0] =	ssyncadd.tile.s32 @!p0 $0x1;
	_ =	shalt  }
.Lfunc_end1:
_tile_overlayer_lowered:
.L_overlay_start_2:
0x66: {  	(tag) =	ssettag $0x2  }
0x67: {  	s0 =	rddreg [dreg:$0x0];
	s2 =	stileid.u32  }
0x68: {  	s1 =	rddreg [dreg:$0x1];
	p0 =	sne.s32 s2, $0x0  }
0x69: {  	s3 =	rddreg [dreg:$0x2];
	[bflag:$0x3] =	sbarrier.arrive $0xFFFF;
	s2 =	simm.s32 @!p0 $0x1C01  }
0x6a: {  	[timem:s3], [sflag:s2] =	dma.local @!p0 [hbm:s0], s1  }
0x6b: {  	s0 =	simm.s32 @!p0 $0x1  }
0x6c: {  	_ =	swait.ge @!p0 [sflag:s0], s1  }
0x6d: {  	s1 =	ssub.s32 @!p0 $0x0, s1;
	[sflag:s0] =	ssyncset.done @!p0 $0x0  }
0x6e: {  	[sflag:s0] =	ssyncadd.s32 @!p0 s1  }
0x6f: {  	[bflag:$0x3] =	sbarrier.arrive $0xFFFF  }
0x70: {  	_ =	shalt  }

</sc_bundles>
